<compile_context>
chip_gen: v7x
topology: tpu7x:2x2x1
jax: 0.10.2.dev20260603
libtpu: 0.0.44.dev20260713+nightly
codegen_flags: <defaults>
</compile_context>

<pallas_src>
import functools

import jax
import jax.numpy as jnp
from jax import lax
from jax.experimental import pallas as pl
from jax.experimental.pallas import tpu as pltpu
from jax.experimental.pallas import tpu_sc as plsc

N_NODES = 10000
N_EDGES = 320000
D_NODE = 128
D_EDGE = 16
HIDDEN = 512
N_OUT = 16

NC = 2
NS = 16
NW = NC * NS

CH = 80
PW = N_EDGES // NW
NCH = PW // CH

G = 1
ES = N_EDGES // G
PWS = ES // NW
NCHS = PWS // CH

BLK = 4000
NPAD = 10240
NPT = NPAD // NS



def _make_gather_body(pw, nch):
    def _gather_body(x_hbm, src_hbm, dst_hbm, outj_hbm, outi_hbm,
                     srcv, dstv, bufj0, bufi0, bufj1, bufi1,
                     semj, semi, semo):
        c = lax.axis_index("c")
        s = lax.axis_index("s")
        wid = c * NS + s
        pltpu.sync_copy(src_hbm.at[wid], srcv)
        pltpu.sync_copy(dst_hbm.at[wid], dstv)
        bufj = (bufj0, bufj1)
        bufi = (bufi0, bufi1)

        pltpu.async_copy(x_hbm.at[srcv.at[0]], bufj0, semj)
        pltpu.async_copy(x_hbm.at[dstv.at[0]], bufi0, semi)

        def body(k, carry):
            off = wid * pw + k * CH
            for p in range(2):
                @pl.when(k % 2 == p)
                def _():
                    pltpu.make_async_copy(x_hbm.at[srcv.at[k]],
                                          bufj[p], semj).wait()
                    pltpu.make_async_copy(x_hbm.at[dstv.at[k]],
                                          bufi[p], semi).wait()

                    @pl.when(k + 1 < nch)
                    def _():
                        pltpu.async_copy(x_hbm.at[srcv.at[k + 1]],
                                         bufj[1 - p], semj)
                        pltpu.async_copy(x_hbm.at[dstv.at[k + 1]],
                                         bufi[1 - p], semi)

                    co = pltpu.async_copy(bufj[p],
                                          outj_hbm.at[pl.ds(off, CH)], semo)
                    ci = pltpu.async_copy(bufi[p],
                                          outi_hbm.at[pl.ds(off, CH)], semo)
                    co.wait()
                    ci.wait()
            return carry

        lax.fori_loop(0, nch, body, 0, unroll=False)

    return _gather_body


def _sc_gather(x, src2d, dst2d, n_edges, pw, nch):
    mesh = plsc.VectorSubcoreMesh(core_axis_name="c", subcore_axis_name="s",
                                  num_cores=NC, num_subcores=NS)
    out = jax.ShapeDtypeStruct((n_edges, D_NODE), jnp.float32)
    return pl.kernel(
        _make_gather_body(pw, nch),
        out_type=[out, out],
        mesh=mesh,
        scratch_types=[
            pltpu.VMEM((nch, CH), jnp.int32),
            pltpu.VMEM((nch, CH), jnp.int32),
            pltpu.VMEM((CH, D_NODE), jnp.float32),
            pltpu.VMEM((CH, D_NODE), jnp.float32),
            pltpu.VMEM((CH, D_NODE), jnp.float32),
            pltpu.VMEM((CH, D_NODE), jnp.float32),
            pltpu.SemaphoreType.DMA,
            pltpu.SemaphoreType.DMA,
            pltpu.SemaphoreType.DMA,
        ],
        name="edge_gather_sc",
    )(x, src2d, dst2d)



def _mlp_block(xi_ref, xj_ref, ea_ref, w0_ref, b0_ref,
               w1_ref, b1_ref, w2_ref, b2_ref, g_ref, bt_ref, out_ref):
    ea = ea_ref[...]
    bf = jnp.bfloat16
    cat = jnp.concatenate([xi_ref[...].astype(bf), xj_ref[...].astype(bf),
                           ea.astype(bf)], axis=-1)
    h = jnp.dot(cat, w0_ref[...],
                preferred_element_type=jnp.float32) + b0_ref[...]
    h = jnp.maximum(h, 0.0)
    h = jnp.dot(h, w1_ref[...],
                preferred_element_type=jnp.float32) + b1_ref[...]
    h = jnp.maximum(h, 0.0)
    msg = jnp.dot(h, w2_ref[...],
                  preferred_element_type=jnp.float32) + b2_ref[...]
    mu = jnp.mean(msg, axis=-1, keepdims=True)
    var = jnp.mean(jnp.square(msg - mu), axis=-1, keepdims=True)
    msg = (msg - mu) * lax.rsqrt(var + 1e-5) * g_ref[...] + bt_ref[...]
    out_ref[...] = ea + msg


def _tc_mlp(x_i, x_j, edge_attr, W0, b0, W1, b1, W2, b2, ln_gamma, ln_beta,
            n_edges):
    W0 = W0.astype(jnp.bfloat16)
    W1 = W1.astype(jnp.bfloat16)
    W2 = W2.astype(jnp.bfloat16)
    full = lambda r, cdim: pl.BlockSpec((r, cdim), lambda i: (0, 0))
    grid = n_edges // BLK
    return pl.pallas_call(
        _mlp_block,
        grid=(grid,),
        in_specs=[
            pl.BlockSpec((BLK, D_NODE), lambda i: (i, 0)),
            pl.BlockSpec((BLK, D_NODE), lambda i: (i, 0)),
            pl.BlockSpec((BLK, D_EDGE), lambda i: (i, 0)),
            full(2 * D_NODE + D_EDGE, HIDDEN),
            full(1, HIDDEN),
            full(HIDDEN, HIDDEN),
            full(1, HIDDEN),
            full(HIDDEN, N_OUT),
            full(1, N_OUT),
            full(1, N_OUT),
            full(1, N_OUT),
        ],
        out_specs=pl.BlockSpec((BLK, N_OUT), lambda i: (i, 0)),
        out_shape=jax.ShapeDtypeStruct((n_edges, N_OUT), jnp.float32),
        compiler_params=pltpu.CompilerParams(
            dimension_semantics=("arbitrary",)),
        name="edge_mlp_tc",
    )(x_i, x_j, edge_attr,
      W0, b0.reshape(1, HIDDEN).astype(jnp.bfloat16),
      W1, b1.reshape(1, HIDDEN).astype(jnp.bfloat16),
      W2, b2.reshape(1, N_OUT),
      ln_gamma.reshape(1, N_OUT), ln_beta.reshape(1, N_OUT))



NFLAT = NPAD * N_OUT
PWE = PW * N_OUT
CE = 8000
NZT = NFLAT // NS


def _scatter_body(vals_hbm, idx_hbm, zeros_hbm, out_hbm,
                  idxc, valbuf, semi, semv, agg_sh):
    c = lax.axis_index("c")
    s = lax.axis_index("s")
    wid = c * NS + s
    pltpu.sync_copy(zeros_hbm.at[pl.ds(s * NZT, NZT)],
                    agg_sh.at[pl.ds(s * NZT, NZT)])
    plsc.subcore_barrier()

    def body(k, carry):
        off = wid * PWE + k * CE
        ci = pltpu.async_copy(idx_hbm.at[pl.ds(off, CE)], idxc, semi)
        cv = pltpu.async_copy(vals_hbm.at[pl.ds(off, CE)], valbuf, semv)
        ci.wait()
        cv.wait()
        pltpu.sync_copy(valbuf, agg_sh.at[idxc], add=True)
        return carry

    lax.fori_loop(0, PWE // CE, body, 0, unroll=False)
    plsc.subcore_barrier()
    pltpu.sync_copy(agg_sh.at[pl.ds(s * NZT, NZT)],
                    out_hbm.at[pl.ds(c * NFLAT + s * NZT, NZT)])


def _sc_scatter(vals_flat, idxe_flat, zeros_flat):
    mesh = plsc.VectorSubcoreMesh(core_axis_name="c", subcore_axis_name="s",
                                  num_cores=NC, num_subcores=NS)
    return pl.kernel(
        _scatter_body,
        out_type=jax.ShapeDtypeStruct((NC * NFLAT,), jnp.float32),
        mesh=mesh,
        scratch_types=[
            pltpu.VMEM((CE,), jnp.int32),
            pltpu.VMEM((CE,), jnp.float32),
            pltpu.SemaphoreType.DMA,
            pltpu.SemaphoreType.DMA,
            pltpu.VMEM_SHARED((NFLAT,), jnp.float32),
        ],
        name="edge_scatter_sc",
    )(vals_flat, idxe_flat, zeros_flat)



def _combine_block(p_ref, out_ref):
    out_ref[...] = p_ref[0, :N_NODES] + p_ref[1, :N_NODES]


def _tc_combine(partials):
    return pl.pallas_call(
        _combine_block,
        out_shape=jax.ShapeDtypeStruct((N_NODES, N_OUT), jnp.float32),
        name="agg_combine_tc",
    )(partials)



def kernel(x, edge_index, edge_attr, W0, b0, W1, b1, W2, b2, ln_gamma, ln_beta):
    src5 = edge_index[0].astype(jnp.int32).reshape(G, NW, NCHS, CH)
    dst_flat = edge_index[1].astype(jnp.int32)
    dst5 = dst_flat.reshape(G, NW, NCHS, CH)
    ean_parts = []
    for g in range(G):
        x_j, x_i = _sc_gather(x, src5[g], dst5[g], ES, PWS, NCHS)
        ea_g = lax.slice_in_dim(edge_attr, g * ES, (g + 1) * ES, axis=0)
        ean_parts.append(_tc_mlp(x_i, x_j, ea_g, W0, b0, W1, b1, W2, b2,
                                 ln_gamma, ln_beta, ES))
    edge_attr_new = jnp.concatenate(ean_parts, axis=0)
    idxe = (dst_flat[:, None] * N_OUT
            + jnp.arange(N_OUT, dtype=jnp.int32)[None, :]).reshape(-1)
    zeros_flat = jnp.zeros((NFLAT,), jnp.float32)
    partials = _sc_scatter(edge_attr_new.reshape(-1), idxe, zeros_flat)
    agg = _tc_combine(partials.reshape(NC, NPAD, N_OUT))
    return (agg, edge_attr_new)

# --- scband reference (transcript-rebuilt; emitter-appended) ---
"""Pipeline reference for scband-edge-message-passing-57208964382816 (READ-ONLY COPY).

The authoritative reference and input builder live on the scoring server;
editing this copy changes nothing except your own understanding.
"""

import jax, jax.numpy as jnp
import numpy as np

N_NODES = 10000
N_EDGES = 320000
D_NODE = 128
D_EDGE = 16
HIDDEN = 512
N_OUT = 16


def setup_inputs(seed: int = 0) -> dict:
    key = jax.random.key(seed)
    ks = jax.random.split(key, 12)
    x = jax.random.normal(ks[0], (N_NODES, D_NODE), dtype=jnp.float32)
    edge_index = jax.random.randint(ks[1], (2, N_EDGES), 0, N_NODES, dtype=jnp.int64)
    edge_attr = jax.random.normal(ks[2], (N_EDGES, D_EDGE), dtype=jnp.float32)
    d_in = D_NODE + D_NODE + D_EDGE  # 272
    W0 = jax.random.normal(ks[3], (d_in, HIDDEN), dtype=jnp.float32) / np.sqrt(d_in)
    b0 = jnp.zeros((HIDDEN,), dtype=jnp.float32)
    W1 = jax.random.normal(ks[4], (HIDDEN, HIDDEN), dtype=jnp.float32) / np.sqrt(HIDDEN)
    b1 = jnp.zeros((HIDDEN,), dtype=jnp.float32)
    W2 = jax.random.normal(ks[5], (HIDDEN, N_OUT), dtype=jnp.float32) / np.sqrt(HIDDEN)
    b2 = jnp.zeros((N_OUT,), dtype=jnp.float32)
    ln_gamma = jnp.ones((N_OUT,), dtype=jnp.float32)
    ln_beta = jnp.zeros((N_OUT,), dtype=jnp.float32)
    return {"x": x, "edge_index": edge_index, "edge_attr": edge_attr,
            "W0": W0, "b0": b0, "W1": W1, "b1": b1, "W2": W2, "b2": b2,
            "ln_gamma": ln_gamma, "ln_beta": ln_beta}


def _layer_norm(h, gamma, beta, eps=1e-5):
    mu = jnp.mean(h, axis=-1, keepdims=True)
    var = jnp.var(h, axis=-1, keepdims=True)
    return (h - mu) / jnp.sqrt(var + eps) * gamma + beta


def reference(x, edge_index, edge_attr, W0, b0, W1, b1, W2, b2, ln_gamma, ln_beta):
    src = edge_index[0]
    dst = edge_index[1]
    x_j = jnp.take(x, src, axis=0)
    x_i = jnp.take(x, dst, axis=0)
    concat_vec = jnp.concatenate([x_i, x_j, edge_attr], axis=-1)
    h = jax.nn.relu(concat_vec @ W0 + b0)
    h = jax.nn.relu(h @ W1 + b1)
    msg = h @ W2 + b2  # Identity output activation
    msg = _layer_norm(msg, ln_gamma, ln_beta)
    edge_attr_new = edge_attr + msg
    agg = jnp.zeros((x.shape[0], edge_attr_new.shape[-1]), dtype=edge_attr_new.dtype)
    agg = agg.at[dst].add(edge_attr_new)
    return (agg, edge_attr_new)

if __name__ == "__main__":
    import jax
    _d = setup_inputs()
    print(jax.jit(kernel)(*tuple(_d.values())))

</pallas_src>

<mosaic_0001>
#map = affine_map<(d0, d1) -> (0, 0)>
#map1 = affine_map<(d0, d1) -> (0, 0, 0)>
module attributes {stable_mosaic.version = 14 : i64} {
  func.func @edge_gather_sc(%arg0: i32, %arg1: i32, %arg2: memref<10000x128xf32, #tpu.memory_space<hbm>>, %arg3: memref<32x125x80xi32, #tpu.memory_space<hbm>>, %arg4: memref<32x125x80xi32, #tpu.memory_space<hbm>>, %arg5: memref<320000x128xf32, #tpu.memory_space<hbm>>, %arg6: memref<320000x128xf32, #tpu.memory_space<hbm>>, %arg7: memref<125x80xi32, #tpu.memory_space<vmem>>, %arg8: memref<125x80xi32, #tpu.memory_space<vmem>>, %arg9: memref<80x128xf32, #tpu.memory_space<vmem>>, %arg10: memref<80x128xf32, #tpu.memory_space<vmem>>, %arg11: memref<80x128xf32, #tpu.memory_space<vmem>>, %arg12: memref<80x128xf32, #tpu.memory_space<vmem>>, %arg13: memref<!tpu.dma_semaphore, #tpu.memory_space<semaphore_mem>>, %arg14: memref<!tpu.dma_semaphore, #tpu.memory_space<semaphore_mem>>, %arg15: memref<!tpu.dma_semaphore, #tpu.memory_space<semaphore_mem>>) attributes {dimension_semantics = [#tpu.dimension_semantics<core_parallel>, #tpu.dimension_semantics<subcore_parallel>], iteration_bounds = array<i64: 2, 16>, scalar_prefetch = 0 : i64, scratch_operands = 9 : i64, tpu.core_type = #tpu.core_type<sc_vector_subcore>, window_params = [{transform_indices = #map}, {transform_indices = #map1}, {transform_indices = #map1}, {transform_indices = #map}, {transform_indices = #map}]} {
    %mul3A = arith.constant 16 : i32
    %mul3A_0 = arith.muli %arg0, %mul3A : i32
    %add3A = arith.addi %mul3A_0, %arg1 : i32
    "tpu.region"() ({
      %run_scoped3A = tpu.sem_alloc : memref<!tpu.dma_semaphore, #tpu.memory_space<semaphore_mem>>
      %dma_start3A_19 = arith.constant 0 : i32
      %dma_start3A_20 = arith.constant 0 : i32
      %dma_start3A_21 = tpu.memref_slice %arg3[%add3A, %dma_start3A_19, %dma_start3A_20] : memref<32x125x80xi32, #tpu.memory_space<hbm>> -> memref<1x125x80xi32, #tpu.memory_space<hbm>>
      %dma_start3A_22 = tpu.memref_squeeze %dma_start3A_21 : memref<1x125x80xi32, #tpu.memory_space<hbm>> -> memref<125x80xi32, #tpu.memory_space<hbm>>
      %dma_start3A_23 = arith.constant 0 : i32
      %dma_start3A_24 = arith.constant 0 : i32
      %dma_start3A_25 = tpu.memref_slice %arg3[%add3A, %dma_start3A_23, %dma_start3A_24] : memref<32x125x80xi32, #tpu.memory_space<hbm>> -> memref<1x125x80xi32, #tpu.memory_space<hbm>>
      %dma_start3A_26 = tpu.memref_squeeze %dma_start3A_25 : memref<1x125x80xi32, #tpu.memory_space<hbm>> -> memref<125x80xi32, #tpu.memory_space<hbm>>
      tpu.enqueue_dma source(%dma_start3A_26 : memref<125x80xi32, #tpu.memory_space<hbm>>) target(%arg7 : memref<125x80xi32, #tpu.memory_space<vmem>>) target_semaphore(%run_scoped3A : memref<!tpu.dma_semaphore, #tpu.memory_space<semaphore_mem>>)
      %dma_wait3A = arith.constant 0 : i32
      %dma_wait3A_27 = arith.constant 0 : i32
      %dma_wait3A_28 = tpu.memref_slice %arg3[%add3A, %dma_wait3A, %dma_wait3A_27] : memref<32x125x80xi32, #tpu.memory_space<hbm>> -> memref<1x125x80xi32, #tpu.memory_space<hbm>>
      %dma_wait3A_29 = tpu.memref_squeeze %dma_wait3A_28 : memref<1x125x80xi32, #tpu.memory_space<hbm>> -> memref<125x80xi32, #tpu.memory_space<hbm>>
      %dma_wait3A_30 = arith.constant 0 : i32
      %dma_wait3A_31 = arith.constant 0 : i32
      %dma_wait3A_32 = tpu.memref_slice %arg3[%add3A, %dma_wait3A_30, %dma_wait3A_31] : memref<32x125x80xi32, #tpu.memory_space<hbm>> -> memref<1x125x80xi32, #tpu.memory_space<hbm>>
      %dma_wait3A_33 = tpu.memref_squeeze %dma_wait3A_32 : memref<1x125x80xi32, #tpu.memory_space<hbm>> -> memref<125x80xi32, #tpu.memory_space<hbm>>
      tpu.wait_dma2 semaphore(%run_scoped3A : memref<!tpu.dma_semaphore, #tpu.memory_space<semaphore_mem>>) src(%dma_wait3A_33 : memref<125x80xi32, #tpu.memory_space<hbm>>) dst(%arg7 : memref<125x80xi32, #tpu.memory_space<vmem>>)
      tpu.yield
    }) : () -> ()
    "tpu.region"() ({
      %run_scoped3A = tpu.sem_alloc : memref<!tpu.dma_semaphore, #tpu.memory_space<semaphore_mem>>
      %dma_start3A_19 = arith.constant 0 : i32
      %dma_start3A_20 = arith.constant 0 : i32
      %dma_start3A_21 = tpu.memref_slice %arg4[%add3A, %dma_start3A_19, %dma_start3A_20] : memref<32x125x80xi32, #tpu.memory_space<hbm>> -> memref<1x125x80xi32, #tpu.memory_space<hbm>>
      %dma_start3A_22 = tpu.memref_squeeze %dma_start3A_21 : memref<1x125x80xi32, #tpu.memory_space<hbm>> -> memref<125x80xi32, #tpu.memory_space<hbm>>
      %dma_start3A_23 = arith.constant 0 : i32
      %dma_start3A_24 = arith.constant 0 : i32
      %dma_start3A_25 = tpu.memref_slice %arg4[%add3A, %dma_start3A_23, %dma_start3A_24] : memref<32x125x80xi32, #tpu.memory_space<hbm>> -> memref<1x125x80xi32, #tpu.memory_space<hbm>>
      %dma_start3A_26 = tpu.memref_squeeze %dma_start3A_25 : memref<1x125x80xi32, #tpu.memory_space<hbm>> -> memref<125x80xi32, #tpu.memory_space<hbm>>
      tpu.enqueue_dma source(%dma_start3A_26 : memref<125x80xi32, #tpu.memory_space<hbm>>) target(%arg8 : memref<125x80xi32, #tpu.memory_space<vmem>>) target_semaphore(%run_scoped3A : memref<!tpu.dma_semaphore, #tpu.memory_space<semaphore_mem>>)
      %dma_wait3A = arith.constant 0 : i32
      %dma_wait3A_27 = arith.constant 0 : i32
      %dma_wait3A_28 = tpu.memref_slice %arg4[%add3A, %dma_wait3A, %dma_wait3A_27] : memref<32x125x80xi32, #tpu.memory_space<hbm>> -> memref<1x125x80xi32, #tpu.memory_space<hbm>>
      %dma_wait3A_29 = tpu.memref_squeeze %dma_wait3A_28 : memref<1x125x80xi32, #tpu.memory_space<hbm>> -> memref<125x80xi32, #tpu.memory_space<hbm>>
      %dma_wait3A_30 = arith.constant 0 : i32
      %dma_wait3A_31 = arith.constant 0 : i32
      %dma_wait3A_32 = tpu.memref_slice %arg4[%add3A, %dma_wait3A_30, %dma_wait3A_31] : memref<32x125x80xi32, #tpu.memory_space<hbm>> -> memref<1x125x80xi32, #tpu.memory_space<hbm>>
      %dma_wait3A_33 = tpu.memref_squeeze %dma_wait3A_32 : memref<1x125x80xi32, #tpu.memory_space<hbm>> -> memref<125x80xi32, #tpu.memory_space<hbm>>
      tpu.wait_dma2 semaphore(%run_scoped3A : memref<!tpu.dma_semaphore, #tpu.memory_space<semaphore_mem>>) src(%dma_wait3A_33 : memref<125x80xi32, #tpu.memory_space<hbm>>) dst(%arg8 : memref<125x80xi32, #tpu.memory_space<vmem>>)
      tpu.yield
    }) : () -> ()
    %dma_start3A = arith.constant 0 : i32
    %dma_start3A_1 = arith.constant 0 : i32
    %dma_start3A_2 = tpu.memref_slice %arg7[%dma_start3A, %dma_start3A_1] : memref<125x80xi32, #tpu.memory_space<vmem>> -> memref<1x80xi32, #tpu.memory_space<vmem>>
    %dma_start3A_3 = tpu.memref_squeeze %dma_start3A_2 : memref<1x80xi32, #tpu.memory_space<vmem>> -> memref<80xi32, #tpu.memory_space<vmem>>
    %dma_start3A_4 = arith.constant 0 : i32
    %dma_start3A_5 = arith.constant 0 : i32
    %dma_start3A_6 = tpu.memref_slice %arg2[%dma_start3A_4, %dma_start3A_5] : memref<10000x128xf32, #tpu.memory_space<hbm>> -> memref<10000x128xf32, #tpu.memory_space<hbm>>
    tpu.enqueue_indirect_dma source(%dma_start3A_6 : memref<10000x128xf32, #tpu.memory_space<hbm>>) target(%arg9 : memref<80x128xf32, #tpu.memory_space<vmem>>) offsets(%dma_start3A_3 : memref<80xi32, #tpu.memory_space<vmem>>) semaphore(%arg13 : memref<!tpu.dma_semaphore, #tpu.memory_space<semaphore_mem>>)
    %dma_start3A_7 = arith.constant 0 : i32
    %dma_start3A_8 = arith.constant 0 : i32
    %dma_start3A_9 = tpu.memref_slice %arg8[%dma_start3A_7, %dma_start3A_8] : memref<125x80xi32, #tpu.memory_space<vmem>> -> memref<1x80xi32, #tpu.memory_space<vmem>>
    %dma_start3A_10 = tpu.memref_squeeze %dma_start3A_9 : memref<1x80xi32, #tpu.memory_space<vmem>> -> memref<80xi32, #tpu.memory_space<vmem>>
    %dma_start3A_11 = arith.constant 0 : i32
    %dma_start3A_12 = arith.constant 0 : i32
    %dma_start3A_13 = tpu.memref_slice %arg2[%dma_start3A_11, %dma_start3A_12] : memref<10000x128xf32, #tpu.memory_space<hbm>> -> memref<10000x128xf32, #tpu.memory_space<hbm>>
    tpu.enqueue_indirect_dma source(%dma_start3A_13 : memref<10000x128xf32, #tpu.memory_space<hbm>>) target(%arg10 : memref<80x128xf32, #tpu.memory_space<vmem>>) offsets(%dma_start3A_10 : memref<80xi32, #tpu.memory_space<vmem>>) semaphore(%arg14 : memref<!tpu.dma_semaphore, #tpu.memory_space<semaphore_mem>>)
    %scan3A = arith.constant 0 : i32
    %scan3A_14 = arith.constant 0 : i32
    %scan3A_15 = arith.constant 125 : i32
    %scan3A_16 = arith.addi %scan3A_14, %scan3A_15 : i32
    %scan3A_17 = arith.constant 1 : i32
    scf.for %scan3A_19 = %scan3A_14 to %scan3A_16 step %scan3A_17  : i32 {
      %mul3A_20 = arith.constant 10000 : i32
      %mul3A_21 = arith.muli %add3A, %mul3A_20 : i32
      %mul3A_22 = arith.constant 80 : i32
      %mul3A_23 = arith.muli %scan3A_19, %mul3A_22 : i32
      %add3A_24 = arith.addi %mul3A_21, %mul3A_23 : i32
      %jit3A = arith.constant 2 : i32
      %eq3A = arith.constant 0 : i32
      %eq3A_25 = arith.cmpi eq, %jit3A, %eq3A : i32
      %jit3A_26 = arith.constant 1 : i32
      %select_n3A = arith.select %eq3A_25, %jit3A_26, %jit3A : i32
      %rem3A = arith.remsi %scan3A_19, %select_n3A : i32
      %ne3A = arith.constant 0 : i32
      %ne3A_27 = arith.cmpi ne, %rem3A, %ne3A : i32
      %lt3A = arith.constant 0 : i32
      %lt3A_28 = arith.cmpi slt, %rem3A, %lt3A : i32
      %lt3A_29 = arith.constant 0 : i32
      %lt3A_30 = arith.cmpi slt, %select_n3A, %lt3A_29 : i32
      %ne3A_31 = arith.xori %lt3A_28, %lt3A_30 : i1
      %and3A = arith.andi %ne3A_31, %ne3A_27 : i1
      %add3A_32 = arith.addi %rem3A, %select_n3A : i32
      %select_n3A_33 = arith.select %and3A, %add3A_32, %rem3A : i32
      %eq3A_34 = arith.constant 0 : i32
      %eq3A_35 = arith.cmpi eq, %select_n3A_33, %eq3A_34 : i32
      %convert_element_type3A = arith.extui %eq3A_35 : i1 to i32
      %cond3A = arith.constant 0 : i32
      %cond3A_36 = arith.cmpi ne, %convert_element_type3A, %cond3A : i32
      scf.if %cond3A_36 {
        %dma_wait3A = arith.constant 0 : i32
        %dma_wait3A_58 = tpu.memref_slice %arg7[%scan3A_19, %dma_wait3A] : memref<125x80xi32, #tpu.memory_space<vmem>> -> memref<1x80xi32, #tpu.memory_space<vmem>>
        %dma_wait3A_59 = tpu.memref_squeeze %dma_wait3A_58 : memref<1x80xi32, #tpu.memory_space<vmem>> -> memref<80xi32, #tpu.memory_space<vmem>>
        %dma_wait3A_60 = arith.constant 0 : i32
        %dma_wait3A_61 = arith.constant 0 : i32
        %dma_wait3A_62 = tpu.memref_slice %arg2[%dma_wait3A_60, %dma_wait3A_61] : memref<10000x128xf32, #tpu.memory_space<hbm>> -> memref<10000x128xf32, #tpu.memory_space<hbm>>
        tpu.wait_indirect_dma semaphore(%arg13 : memref<!tpu.dma_semaphore, #tpu.memory_space<semaphore_mem>>) src(%dma_wait3A_62 : memref<10000x128xf32, #tpu.memory_space<hbm>>) dst(%arg9 : memref<80x128xf32, #tpu.memory_space<vmem>>)
        %dma_wait3A_63 = arith.constant 0 : i32
        %dma_wait3A_64 = tpu.memref_slice %arg8[%scan3A_19, %dma_wait3A_63] : memref<125x80xi32, #tpu.memory_space<vmem>> -> memref<1x80xi32, #tpu.memory_space<vmem>>
        %dma_wait3A_65 = tpu.memref_squeeze %dma_wait3A_64 : memref<1x80xi32, #tpu.memory_space<vmem>> -> memref<80xi32, #tpu.memory_space<vmem>>
        %dma_wait3A_66 = arith.constant 0 : i32
        %dma_wait3A_67 = arith.constant 0 : i32
        %dma_wait3A_68 = tpu.memref_slice %arg2[%dma_wait3A_66, %dma_wait3A_67] : memref<10000x128xf32, #tpu.memory_space<hbm>> -> memref<10000x128xf32, #tpu.memory_space<hbm>>
        tpu.wait_indirect_dma semaphore(%arg14 : memref<!tpu.dma_semaphore, #tpu.memory_space<semaphore_mem>>) src(%dma_wait3A_68 : memref<10000x128xf32, #tpu.memory_space<hbm>>) dst(%arg10 : memref<80x128xf32, #tpu.memory_space<vmem>>)
        %add3A_69 = arith.constant 1 : i32
        %add3A_70 = arith.addi %scan3A_19, %add3A_69 : i32
        %lt3A_71 = arith.constant 125 : i32
        %lt3A_72 = arith.cmpi slt, %add3A_70, %lt3A_71 : i32
        %convert_element_type3A_73 = arith.extui %lt3A_72 : i1 to i32
        %cond3A_74 = arith.constant 0 : i32
        %cond3A_75 = arith.cmpi ne, %convert_element_type3A_73, %cond3A_74 : i32
        scf.if %cond3A_75 {
          %add3A_92 = arith.constant 1 : i32
          %add3A_93 = arith.addi %scan3A_19, %add3A_92 : i32
          %dma_start3A_94 = arith.constant 0 : i32
          %dma_start3A_95 = tpu.memref_slice %arg7[%add3A_93, %dma_start3A_94] : memref<125x80xi32, #tpu.memory_space<vmem>> -> memref<1x80xi32, #tpu.memory_space<vmem>>
          %dma_start3A_96 = tpu.memref_squeeze %dma_start3A_95 : memref<1x80xi32, #tpu.memory_space<vmem>> -> memref<80xi32, #tpu.memory_space<vmem>>
          %dma_start3A_97 = arith.constant 0 : i32
          %dma_start3A_98 = arith.constant 0 : i32
          %dma_start3A_99 = tpu.memref_slice %arg2[%dma_start3A_97, %dma_start3A_98] : memref<10000x128xf32, #tpu.memory_space<hbm>> -> memref<10000x128xf32, #tpu.memory_space<hbm>>
          tpu.enqueue_indirect_dma source(%dma_start3A_99 : memref<10000x128xf32, #tpu.memory_space<hbm>>) target(%arg11 : memref<80x128xf32, #tpu.memory_space<vmem>>) offsets(%dma_start3A_96 : memref<80xi32, #tpu.memory_space<vmem>>) semaphore(%arg13 : memref<!tpu.dma_semaphore, #tpu.memory_space<semaphore_mem>>)
          %add3A_100 = arith.constant 1 : i32
          %add3A_101 = arith.addi %scan3A_19, %add3A_100 : i32
          %dma_start3A_102 = arith.constant 0 : i32
          %dma_start3A_103 = tpu.memref_slice %arg8[%add3A_101, %dma_start3A_102] : memref<125x80xi32, #tpu.memory_space<vmem>> -> memref<1x80xi32, #tpu.memory_space<vmem>>
          %dma_start3A_104 = tpu.memref_squeeze %dma_start3A_103 : memref<1x80xi32, #tpu.memory_space<vmem>> -> memref<80xi32, #tpu.memory_space<vmem>>
          %dma_start3A_105 = arith.constant 0 : i32
          %dma_start3A_106 = arith.constant 0 : i32
          %dma_start3A_107 = tpu.memref_slice %arg2[%dma_start3A_105, %dma_start3A_106] : memref<10000x128xf32, #tpu.memory_space<hbm>> -> memref<10000x128xf32, #tpu.memory_space<hbm>>
          tpu.enqueue_indirect_dma source(%dma_start3A_107 : memref<10000x128xf32, #tpu.memory_space<hbm>>) target(%arg12 : memref<80x128xf32, #tpu.memory_space<vmem>>) offsets(%dma_start3A_104 : memref<80xi32, #tpu.memory_space<vmem>>) semaphore(%arg14 : memref<!tpu.dma_semaphore, #tpu.memory_space<semaphore_mem>>)
        } else {
        }
        %dma_start3A_76 = arith.constant 0 : i32
        %dma_start3A_77 = tpu.memref_slice %arg5[%add3A_24, %dma_start3A_76] : memref<320000x128xf32, #tpu.memory_space<hbm>> -> memref<80x128xf32, #tpu.memory_space<hbm>>
        %dma_start3A_78 = arith.constant 0 : i32
        %dma_start3A_79 = tpu.memref_slice %arg5[%add3A_24, %dma_start3A_78] : memref<320000x128xf32, #tpu.memory_space<hbm>> -> memref<80x128xf32, #tpu.memory_space<hbm>>
        tpu.enqueue_dma source(%arg9 : memref<80x128xf32, #tpu.memory_space<vmem>>) target(%dma_start3A_79 : memref<80x128xf32, #tpu.memory_space<hbm>>) target_semaphore(%arg15 : memref<!tpu.dma_semaphore, #tpu.memory_space<semaphore_mem>>)
        %dma_start3A_80 = arith.constant 0 : i32
        %dma_start3A_81 = tpu.memref_slice %arg6[%add3A_24, %dma_start3A_80] : memref<320000x128xf32, #tpu.memory_space<hbm>> -> memref<80x128xf32, #tpu.memory_space<hbm>>
        %dma_start3A_82 = arith.constant 0 : i32
        %dma_start3A_83 = tpu.memref_slice %arg6[%add3A_24, %dma_start3A_82] : memref<320000x128xf32, #tpu.memory_space<hbm>> -> memref<80x128xf32, #tpu.memory_space<hbm>>
        tpu.enqueue_dma source(%arg10 : memref<80x128xf32, #tpu.memory_space<vmem>>) target(%dma_start3A_83 : memref<80x128xf32, #tpu.memory_space<hbm>>) target_semaphore(%arg15 : memref<!tpu.dma_semaphore, #tpu.memory_space<semaphore_mem>>)
        %dma_wait3A_84 = arith.constant 0 : i32
        %dma_wait3A_85 = tpu.memref_slice %arg5[%add3A_24, %dma_wait3A_84] : memref<320000x128xf32, #tpu.memory_space<hbm>> -> memref<80x128xf32, #tpu.memory_space<hbm>>
        %dma_wait3A_86 = arith.constant 0 : i32
        %dma_wait3A_87 = tpu.memref_slice %arg5[%add3A_24, %dma_wait3A_86] : memref<320000x128xf32, #tpu.memory_space<hbm>> -> memref<80x128xf32, #tpu.memory_space<hbm>>
        tpu.wait_dma2 semaphore(%arg15 : memref<!tpu.dma_semaphore, #tpu.memory_space<semaphore_mem>>) src(%arg9 : memref<80x128xf32, #tpu.memory_space<vmem>>) dst(%dma_wait3A_87 : memref<80x128xf32, #tpu.memory_space<hbm>>)
        %dma_wait3A_88 = arith.constant 0 : i32
        %dma_wait3A_89 = tpu.memref_slice %arg6[%add3A_24, %dma_wait3A_88] : memref<320000x128xf32, #tpu.memory_space<hbm>> -> memref<80x128xf32, #tpu.memory_space<hbm>>
        %dma_wait3A_90 = arith.constant 0 : i32
        %dma_wait3A_91 = tpu.memref_slice %arg6[%add3A_24, %dma_wait3A_90] : memref<320000x128xf32, #tpu.memory_space<hbm>> -> memref<80x128xf32, #tpu.memory_space<hbm>>
        tpu.wait_dma2 semaphore(%arg15 : memref<!tpu.dma_semaphore, #tpu.memory_space<semaphore_mem>>) src(%arg10 : memref<80x128xf32, #tpu.memory_space<vmem>>) dst(%dma_wait3A_91 : memref<80x128xf32, #tpu.memory_space<hbm>>)
      } else {
      }
      %jit3A_37 = arith.constant 2 : i32
      %eq3A_38 = arith.constant 0 : i32
      %eq3A_39 = arith.cmpi eq, %jit3A_37, %eq3A_38 : i32
      %jit3A_40 = arith.constant 1 : i32
      %select_n3A_41 = arith.select %eq3A_39, %jit3A_40, %jit3A_37 : i32
      %rem3A_42 = arith.remsi %scan3A_19, %select_n3A_41 : i32
      %ne3A_43 = arith.constant 0 : i32
      %ne3A_44 = arith.cmpi ne, %rem3A_42, %ne3A_43 : i32
      %lt3A_45 = arith.constant 0 : i32
      %lt3A_46 = arith.cmpi slt, %rem3A_42, %lt3A_45 : i32
      %lt3A_47 = arith.constant 0 : i32
      %lt3A_48 = arith.cmpi slt, %select_n3A_41, %lt3A_47 : i32
      %ne3A_49 = arith.xori %lt3A_46, %lt3A_48 : i1
      %and3A_50 = arith.andi %ne3A_49, %ne3A_44 : i1
      %add3A_51 = arith.addi %rem3A_42, %select_n3A_41 : i32
      %select_n3A_52 = arith.select %and3A_50, %add3A_51, %rem3A_42 : i32
      %eq3A_53 = arith.constant 1 : i32
      %eq3A_54 = arith.cmpi eq, %select_n3A_52, %eq3A_53 : i32
      %convert_element_type3A_55 = arith.extui %eq3A_54 : i1 to i32
      %cond3A_56 = arith.constant 0 : i32
      %cond3A_57 = arith.cmpi ne, %convert_element_type3A_55, %cond3A_56 : i32
      scf.if %cond3A_57 {
        %dma_wait3A = arith.constant 0 : i32
        %dma_wait3A_58 = tpu.memref_slice %arg7[%scan3A_19, %dma_wait3A] : memref<125x80xi32, #tpu.memory_space<vmem>> -> memref<1x80xi32, #tpu.memory_space<vmem>>
        %dma_wait3A_59 = tpu.memref_squeeze %dma_wait3A_58 : memref<1x80xi32, #tpu.memory_space<vmem>> -> memref<80xi32, #tpu.memory_space<vmem>>
        %dma_wait3A_60 = arith.constant 0 : i32
        %dma_wait3A_61 = arith.constant 0 : i32
        %dma_wait3A_62 = tpu.memref_slice %arg2[%dma_wait3A_60, %dma_wait3A_61] : memref<10000x128xf32, #tpu.memory_space<hbm>> -> memref<10000x128xf32, #tpu.memory_space<hbm>>
        tpu.wait_indirect_dma semaphore(%arg13 : memref<!tpu.dma_semaphore, #tpu.memory_space<semaphore_mem>>) src(%dma_wait3A_62 : memref<10000x128xf32, #tpu.memory_space<hbm>>) dst(%arg11 : memref<80x128xf32, #tpu.memory_space<vmem>>)
        %dma_wait3A_63 = arith.constant 0 : i32
        %dma_wait3A_64 = tpu.memref_slice %arg8[%scan3A_19, %dma_wait3A_63] : memref<125x80xi32, #tpu.memory_space<vmem>> -> memref<1x80xi32, #tpu.memory_space<vmem>>
        %dma_wait3A_65 = tpu.memref_squeeze %dma_wait3A_64 : memref<1x80xi32, #tpu.memory_space<vmem>> -> memref<80xi32, #tpu.memory_space<vmem>>
        %dma_wait3A_66 = arith.constant 0 : i32
        %dma_wait3A_67 = arith.constant 0 : i32
        %dma_wait3A_68 = tpu.memref_slice %arg2[%dma_wait3A_66, %dma_wait3A_67] : memref<10000x128xf32, #tpu.memory_space<hbm>> -> memref<10000x128xf32, #tpu.memory_space<hbm>>
        tpu.wait_indirect_dma semaphore(%arg14 : memref<!tpu.dma_semaphore, #tpu.memory_space<semaphore_mem>>) src(%dma_wait3A_68 : memref<10000x128xf32, #tpu.memory_space<hbm>>) dst(%arg12 : memref<80x128xf32, #tpu.memory_space<vmem>>)
        %add3A_69 = arith.constant 1 : i32
        %add3A_70 = arith.addi %scan3A_19, %add3A_69 : i32
        %lt3A_71 = arith.constant 125 : i32
        %lt3A_72 = arith.cmpi slt, %add3A_70, %lt3A_71 : i32
        %convert_element_type3A_73 = arith.extui %lt3A_72 : i1 to i32
        %cond3A_74 = arith.constant 0 : i32
        %cond3A_75 = arith.cmpi ne, %convert_element_type3A_73, %cond3A_74 : i32
        scf.if %cond3A_75 {
          %add3A_92 = arith.constant 1 : i32
          %add3A_93 = arith.addi %scan3A_19, %add3A_92 : i32
          %dma_start3A_94 = arith.constant 0 : i32
          %dma_start3A_95 = tpu.memref_slice %arg7[%add3A_93, %dma_start3A_94] : memref<125x80xi32, #tpu.memory_space<vmem>> -> memref<1x80xi32, #tpu.memory_space<vmem>>
          %dma_start3A_96 = tpu.memref_squeeze %dma_start3A_95 : memref<1x80xi32, #tpu.memory_space<vmem>> -> memref<80xi32, #tpu.memory_space<vmem>>
          %dma_start3A_97 = arith.constant 0 : i32
          %dma_start3A_98 = arith.constant 0 : i32
          %dma_start3A_99 = tpu.memref_slice %arg2[%dma_start3A_97, %dma_start3A_98] : memref<10000x128xf32, #tpu.memory_space<hbm>> -> memref<10000x128xf32, #tpu.memory_space<hbm>>
          tpu.enqueue_indirect_dma source(%dma_start3A_99 : memref<10000x128xf32, #tpu.memory_space<hbm>>) target(%arg9 : memref<80x128xf32, #tpu.memory_space<vmem>>) offsets(%dma_start3A_96 : memref<80xi32, #tpu.memory_space<vmem>>) semaphore(%arg13 : memref<!tpu.dma_semaphore, #tpu.memory_space<semaphore_mem>>)
          %add3A_100 = arith.constant 1 : i32
          %add3A_101 = arith.addi %scan3A_19, %add3A_100 : i32
          %dma_start3A_102 = arith.constant 0 : i32
          %dma_start3A_103 = tpu.memref_slice %arg8[%add3A_101, %dma_start3A_102] : memref<125x80xi32, #tpu.memory_space<vmem>> -> memref<1x80xi32, #tpu.memory_space<vmem>>
          %dma_start3A_104 = tpu.memref_squeeze %dma_start3A_103 : memref<1x80xi32, #tpu.memory_space<vmem>> -> memref<80xi32, #tpu.memory_space<vmem>>
          %dma_start3A_105 = arith.constant 0 : i32
          %dma_start3A_106 = arith.constant 0 : i32
          %dma_start3A_107 = tpu.memref_slice %arg2[%dma_start3A_105, %dma_start3A_106] : memref<10000x128xf32, #tpu.memory_space<hbm>> -> memref<10000x128xf32, #tpu.memory_space<hbm>>
          tpu.enqueue_indirect_dma source(%dma_start3A_107 : memref<10000x128xf32, #tpu.memory_space<hbm>>) target(%arg10 : memref<80x128xf32, #tpu.memory_space<vmem>>) offsets(%dma_start3A_104 : memref<80xi32, #tpu.memory_space<vmem>>) semaphore(%arg14 : memref<!tpu.dma_semaphore, #tpu.memory_space<semaphore_mem>>)
        } else {
        }
        %dma_start3A_76 = arith.constant 0 : i32
        %dma_start3A_77 = tpu.memref_slice %arg5[%add3A_24, %dma_start3A_76] : memref<320000x128xf32, #tpu.memory_space<hbm>> -> memref<80x128xf32, #tpu.memory_space<hbm>>
        %dma_start3A_78 = arith.constant 0 : i32
        %dma_start3A_79 = tpu.memref_slice %arg5[%add3A_24, %dma_start3A_78] : memref<320000x128xf32, #tpu.memory_space<hbm>> -> memref<80x128xf32, #tpu.memory_space<hbm>>
        tpu.enqueue_dma source(%arg11 : memref<80x128xf32, #tpu.memory_space<vmem>>) target(%dma_start3A_79 : memref<80x128xf32, #tpu.memory_space<hbm>>) target_semaphore(%arg15 : memref<!tpu.dma_semaphore, #tpu.memory_space<semaphore_mem>>)
        %dma_start3A_80 = arith.constant 0 : i32
        %dma_start3A_81 = tpu.memref_slice %arg6[%add3A_24, %dma_start3A_80] : memref<320000x128xf32, #tpu.memory_space<hbm>> -> memref<80x128xf32, #tpu.memory_space<hbm>>
        %dma_start3A_82 = arith.constant 0 : i32
        %dma_start3A_83 = tpu.memref_slice %arg6[%add3A_24, %dma_start3A_82] : memref<320000x128xf32, #tpu.memory_space<hbm>> -> memref<80x128xf32, #tpu.memory_space<hbm>>
        tpu.enqueue_dma source(%arg12 : memref<80x128xf32, #tpu.memory_space<vmem>>) target(%dma_start3A_83 : memref<80x128xf32, #tpu.memory_space<hbm>>) target_semaphore(%arg15 : memref<!tpu.dma_semaphore, #tpu.memory_space<semaphore_mem>>)
        %dma_wait3A_84 = arith.constant 0 : i32
        %dma_wait3A_85 = tpu.memref_slice %arg5[%add3A_24, %dma_wait3A_84] : memref<320000x128xf32, #tpu.memory_space<hbm>> -> memref<80x128xf32, #tpu.memory_space<hbm>>
        %dma_wait3A_86 = arith.constant 0 : i32
        %dma_wait3A_87 = tpu.memref_slice %arg5[%add3A_24, %dma_wait3A_86] : memref<320000x128xf32, #tpu.memory_space<hbm>> -> memref<80x128xf32, #tpu.memory_space<hbm>>
        tpu.wait_dma2 semaphore(%arg15 : memref<!tpu.dma_semaphore, #tpu.memory_space<semaphore_mem>>) src(%arg11 : memref<80x128xf32, #tpu.memory_space<vmem>>) dst(%dma_wait3A_87 : memref<80x128xf32, #tpu.memory_space<hbm>>)
        %dma_wait3A_88 = arith.constant 0 : i32
        %dma_wait3A_89 = tpu.memref_slice %arg6[%add3A_24, %dma_wait3A_88] : memref<320000x128xf32, #tpu.memory_space<hbm>> -> memref<80x128xf32, #tpu.memory_space<hbm>>
        %dma_wait3A_90 = arith.constant 0 : i32
        %dma_wait3A_91 = tpu.memref_slice %arg6[%add3A_24, %dma_wait3A_90] : memref<320000x128xf32, #tpu.memory_space<hbm>> -> memref<80x128xf32, #tpu.memory_space<hbm>>
        tpu.wait_dma2 semaphore(%arg15 : memref<!tpu.dma_semaphore, #tpu.memory_space<semaphore_mem>>) src(%arg12 : memref<80x128xf32, #tpu.memory_space<vmem>>) dst(%dma_wait3A_91 : memref<80x128xf32, #tpu.memory_space<hbm>>)
      } else {
      }
    }
    %scan3A_18 = arith.constant 125 : i32
    return
  }
}

#map = affine_map<(d0, d1) -> (0)>
module attributes {stable_mosaic.version = 14 : i64} {
  func.func @edge_scatter_sc(%arg0: i32, %arg1: i32, %arg2: memref<5120000xf32, #tpu.memory_space<hbm>>, %arg3: memref<5120000xi32, #tpu.memory_space<hbm>>, %arg4: memref<163840xf32, #tpu.memory_space<hbm>>, %arg5: memref<327680xf32, #tpu.memory_space<hbm>>, %arg6: memref<8000xi32, #tpu.memory_space<vmem>>, %arg7: memref<8000xf32, #tpu.memory_space<vmem>>, %arg8: memref<!tpu.dma_semaphore, #tpu.memory_space<semaphore_mem>>, %arg9: memref<!tpu.dma_semaphore, #tpu.memory_space<semaphore_mem>>, %arg10: memref<163840xf32, #tpu.memory_space<vmem_shared>>) attributes {dimension_semantics = [#tpu.dimension_semantics<core_parallel>, #tpu.dimension_semantics<subcore_parallel>], iteration_bounds = array<i64: 2, 16>, scalar_prefetch = 0 : i64, scratch_operands = 5 : i64, tpu.core_type = #tpu.core_type<sc_vector_subcore>, window_params = [{transform_indices = #map}, {transform_indices = #map}, {transform_indices = #map}, {transform_indices = #map}]} {
    %mul3A = arith.constant 16 : i32
    %mul3A_0 = arith.muli %arg0, %mul3A : i32
    %add3A = arith.addi %mul3A_0, %arg1 : i32
    %mul3A_1 = arith.constant 10240 : i32
    %mul3A_2 = arith.muli %arg1, %mul3A_1 : i32
    %mul3A_3 = arith.constant 10240 : i32
    %mul3A_4 = arith.muli %arg1, %mul3A_3 : i32
    "tpu.region"() ({
      %run_scoped3A = tpu.sem_alloc : memref<!tpu.dma_semaphore, #tpu.memory_space<semaphore_mem>>
      %dma_start3A = tpu.memref_slice %arg10[%mul3A_4] : memref<163840xf32, #tpu.memory_space<vmem_shared>> -> memref<10240xf32, #tpu.memory_space<vmem_shared>>
      %dma_start3A_18 = tpu.memref_slice %arg4[%mul3A_2] : memref<163840xf32, #tpu.memory_space<hbm>> -> memref<10240xf32, #tpu.memory_space<hbm>>
      tpu.enqueue_dma source(%dma_start3A_18 : memref<10240xf32, #tpu.memory_space<hbm>>) target(%dma_start3A : memref<10240xf32, #tpu.memory_space<vmem_shared>>) target_semaphore(%run_scoped3A : memref<!tpu.dma_semaphore, #tpu.memory_space<semaphore_mem>>)
      %dma_wait3A = tpu.memref_slice %arg10[%mul3A_4] : memref<163840xf32, #tpu.memory_space<vmem_shared>> -> memref<10240xf32, #tpu.memory_space<vmem_shared>>
      %dma_wait3A_19 = tpu.memref_slice %arg4[%mul3A_2] : memref<163840xf32, #tpu.memory_space<hbm>> -> memref<10240xf32, #tpu.memory_space<hbm>>
      tpu.wait_dma2 semaphore(%run_scoped3A : memref<!tpu.dma_semaphore, #tpu.memory_space<semaphore_mem>>) src(%dma_wait3A_19 : memref<10240xf32, #tpu.memory_space<hbm>>) dst(%dma_wait3A : memref<10240xf32, #tpu.memory_space<vmem_shared>>)
      tpu.yield
    }) : () -> ()
    %barrier3A = arith.constant 0 : index
    tpu.barrier barrier_id(%barrier3A)
    %scan3A = arith.constant 0 : i32
    %scan3A_5 = arith.constant 0 : i32
    %scan3A_6 = arith.constant 20 : i32
    %scan3A_7 = arith.addi %scan3A_5, %scan3A_6 : i32
    %scan3A_8 = arith.constant 1 : i32
    scf.for %scan3A_18 = %scan3A_5 to %scan3A_7 step %scan3A_8  : i32 {
      %mul3A_19 = arith.constant 160000 : i32
      %mul3A_20 = arith.muli %add3A, %mul3A_19 : i32
      %mul3A_21 = arith.constant 8000 : i32
      %mul3A_22 = arith.muli %scan3A_18, %mul3A_21 : i32
      %add3A_23 = arith.addi %mul3A_20, %mul3A_22 : i32
      %dma_start3A = tpu.memref_slice %arg3[%add3A_23] : memref<5120000xi32, #tpu.memory_space<hbm>> -> memref<8000xi32, #tpu.memory_space<hbm>>
      %dma_start3A_24 = tpu.memref_slice %arg3[%add3A_23] : memref<5120000xi32, #tpu.memory_space<hbm>> -> memref<8000xi32, #tpu.memory_space<hbm>>
      tpu.enqueue_dma source(%dma_start3A_24 : memref<8000xi32, #tpu.memory_space<hbm>>) target(%arg6 : memref<8000xi32, #tpu.memory_space<vmem>>) target_semaphore(%arg8 : memref<!tpu.dma_semaphore, #tpu.memory_space<semaphore_mem>>)
      %dma_start3A_25 = tpu.memref_slice %arg2[%add3A_23] : memref<5120000xf32, #tpu.memory_space<hbm>> -> memref<8000xf32, #tpu.memory_space<hbm>>
      %dma_start3A_26 = tpu.memref_slice %arg2[%add3A_23] : memref<5120000xf32, #tpu.memory_space<hbm>> -> memref<8000xf32, #tpu.memory_space<hbm>>
      tpu.enqueue_dma source(%dma_start3A_26 : memref<8000xf32, #tpu.memory_space<hbm>>) target(%arg7 : memref<8000xf32, #tpu.memory_space<vmem>>) target_semaphore(%arg9 : memref<!tpu.dma_semaphore, #tpu.memory_space<semaphore_mem>>)
      %dma_wait3A = tpu.memref_slice %arg3[%add3A_23] : memref<5120000xi32, #tpu.memory_space<hbm>> -> memref<8000xi32, #tpu.memory_space<hbm>>
      %dma_wait3A_27 = tpu.memref_slice %arg3[%add3A_23] : memref<5120000xi32, #tpu.memory_space<hbm>> -> memref<8000xi32, #tpu.memory_space<hbm>>
      tpu.wait_dma2 semaphore(%arg8 : memref<!tpu.dma_semaphore, #tpu.memory_space<semaphore_mem>>) src(%dma_wait3A_27 : memref<8000xi32, #tpu.memory_space<hbm>>) dst(%arg6 : memref<8000xi32, #tpu.memory_space<vmem>>)
      %dma_wait3A_28 = tpu.memref_slice %arg2[%add3A_23] : memref<5120000xf32, #tpu.memory_space<hbm>> -> memref<8000xf32, #tpu.memory_space<hbm>>
      %dma_wait3A_29 = tpu.memref_slice %arg2[%add3A_23] : memref<5120000xf32, #tpu.memory_space<hbm>> -> memref<8000xf32, #tpu.memory_space<hbm>>
      tpu.wait_dma2 semaphore(%arg9 : memref<!tpu.dma_semaphore, #tpu.memory_space<semaphore_mem>>) src(%dma_wait3A_29 : memref<8000xf32, #tpu.memory_space<hbm>>) dst(%arg7 : memref<8000xf32, #tpu.memory_space<vmem>>)
      "tpu.region"() ({
        %run_scoped3A = tpu.sem_alloc : memref<!tpu.dma_semaphore, #tpu.memory_space<semaphore_mem>>
        %dma_start3A_30 = arith.constant 0 : i32
        %dma_start3A_31 = tpu.memref_slice %arg10[%dma_start3A_30] : memref<163840xf32, #tpu.memory_space<vmem_shared>> -> memref<163840xf32, #tpu.memory_space<vmem_shared>>
        tpu.enqueue_indirect_dma source(%arg7 : memref<8000xf32, #tpu.memory_space<vmem>>) target(%dma_start3A_31 : memref<163840xf32, #tpu.memory_space<vmem_shared>>) offsets(%arg6 : memref<8000xi32, #tpu.memory_space<vmem>>) semaphore(%run_scoped3A : memref<!tpu.dma_semaphore, #tpu.memory_space<semaphore_mem>>) {add = true}
        %dma_wait3A_32 = arith.constant 0 : i32
        %dma_wait3A_33 = tpu.memref_slice %arg10[%dma_wait3A_32] : memref<163840xf32, #tpu.memory_space<vmem_shared>> -> memref<163840xf32, #tpu.memory_space<vmem_shared>>
        tpu.wait_indirect_dma semaphore(%run_scoped3A : memref<!tpu.dma_semaphore, #tpu.memory_space<semaphore_mem>>) src(%arg7 : memref<8000xf32, #tpu.memory_space<vmem>>) dst(%dma_wait3A_33 : memref<163840xf32, #tpu.memory_space<vmem_shared>>)
        tpu.yield
      }) : () -> ()
    }
    %scan3A_9 = arith.constant 20 : i32
    %barrier3A_10 = arith.constant 0 : index
    tpu.barrier barrier_id(%barrier3A_10)
    %mul3A_11 = arith.constant 10240 : i32
    %mul3A_12 = arith.muli %arg1, %mul3A_11 : i32
    %mul3A_13 = arith.constant 163840 : i32
    %mul3A_14 = arith.muli %arg0, %mul3A_13 : i32
    %mul3A_15 = arith.constant 10240 : i32
    %mul3A_16 = arith.muli %arg1, %mul3A_15 : i32
    %add3A_17 = arith.addi %mul3A_14, %mul3A_16 : i32
    "tpu.region"() ({
      %run_scoped3A = tpu.sem_alloc : memref<!tpu.dma_semaphore, #tpu.memory_space<semaphore_mem>>
      %dma_start3A = tpu.memref_slice %arg5[%add3A_17] : memref<327680xf32, #tpu.memory_space<hbm>> -> memref<10240xf32, #tpu.memory_space<hbm>>
      %dma_start3A_18 = tpu.memref_slice %arg10[%mul3A_12] : memref<163840xf32, #tpu.memory_space<vmem_shared>> -> memref<10240xf32, #tpu.memory_space<vmem_shared>>
      tpu.enqueue_dma source(%dma_start3A_18 : memref<10240xf32, #tpu.memory_space<vmem_shared>>) target(%dma_start3A : memref<10240xf32, #tpu.memory_space<hbm>>) target_semaphore(%run_scoped3A : memref<!tpu.dma_semaphore, #tpu.memory_space<semaphore_mem>>)
      %dma_wait3A = tpu.memref_slice %arg5[%add3A_17] : memref<327680xf32, #tpu.memory_space<hbm>> -> memref<10240xf32, #tpu.memory_space<hbm>>
      %dma_wait3A_19 = tpu.memref_slice %arg10[%mul3A_12] : memref<163840xf32, #tpu.memory_space<vmem_shared>> -> memref<10240xf32, #tpu.memory_space<vmem_shared>>
      tpu.wait_dma2 semaphore(%run_scoped3A : memref<!tpu.dma_semaphore, #tpu.memory_space<semaphore_mem>>) src(%dma_wait3A_19 : memref<10240xf32, #tpu.memory_space<vmem_shared>>) dst(%dma_wait3A : memref<10240xf32, #tpu.memory_space<hbm>>)
      tpu.yield
    }) : () -> ()
    return
  }
}

module attributes {stable_mosaic.version = 14 : i64} {
  func.func @edge_mlp_tc(%arg0: i32, %arg1: memref<4000x128xf32, #tpu.memory_space<vmem>>, %arg2: memref<4000x128xf32, #tpu.memory_space<vmem>>, %arg3: memref<4000x16xf32, #tpu.memory_space<vmem>>, %arg4: memref<272x512xbf16, #tpu.memory_space<vmem>>, %arg5: memref<1x512xbf16, #tpu.memory_space<vmem>>, %arg6: memref<512x512xbf16, #tpu.memory_space<vmem>>, %arg7: memref<1x512xbf16, #tpu.memory_space<vmem>>, %arg8: memref<512x16xbf16, #tpu.memory_space<vmem>>, %arg9: memref<1x16xf32, #tpu.memory_space<vmem>>, %arg10: memref<1x16xf32, #tpu.memory_space<vmem>>, %arg11: memref<1x16xf32, #tpu.memory_space<vmem>>, %arg12: memref<4000x16xf32, #tpu.memory_space<vmem>>) attributes {dimension_semantics = [#tpu.dimension_semantics<arbitrary>], iteration_bounds = array<i64: 80>, scalar_prefetch = 0 : i64, scratch_operands = 0 : i64, tpu.core_type = #tpu.core_type<tc>, window_params = [{transform_indices = @transform_0, window_bounds = array<i64: 4000, 128>}, {transform_indices = @transform_1, window_bounds = array<i64: 4000, 128>}, {transform_indices = @transform_2, window_bounds = array<i64: 4000, 16>}, {pipeline_mode = #tpu.pipeline_mode<synchronous>, transform_indices = @transform_3, window_bounds = array<i64: 272, 512>}, {pipeline_mode = #tpu.pipeline_mode<synchronous>, transform_indices = @transform_4, window_bounds = array<i64: 1, 512>}, {pipeline_mode = #tpu.pipeline_mode<synchronous>, transform_indices = @transform_5, window_bounds = array<i64: 512, 512>}, {pipeline_mode = #tpu.pipeline_mode<synchronous>, transform_indices = @transform_6, window_bounds = array<i64: 1, 512>}, {pipeline_mode = #tpu.pipeline_mode<synchronous>, transform_indices = @transform_7, window_bounds = array<i64: 512, 16>}, {pipeline_mode = #tpu.pipeline_mode<synchronous>, transform_indices = @transform_8, window_bounds = array<i64: 1, 16>}, {pipeline_mode = #tpu.pipeline_mode<synchronous>, transform_indices = @transform_9, window_bounds = array<i64: 1, 16>}, {pipeline_mode = #tpu.pipeline_mode<synchronous>, transform_indices = @transform_10, window_bounds = array<i64: 1, 16>}, {transform_indices = @transform_11, window_bounds = array<i64: 4000, 16>}]} {
    %get3A = arith.constant 0 : index
    %get3A_0 = arith.constant 0 : index
    %get3A_1 = vector.load %arg3[%get3A, %get3A_0] : memref<4000x16xf32, #tpu.memory_space<vmem>>, vector<4000x16xf32>
    %get3A_2 = arith.constant 0 : index
    %get3A_3 = arith.constant 0 : index
    %get3A_4 = vector.load %arg1[%get3A_2, %get3A_3] : memref<4000x128xf32, #tpu.memory_space<vmem>>, vector<4000x128xf32>
    %convert_element_type3A = arith.truncf %get3A_4 : vector<4000x128xf32> to vector<4000x128xbf16>
    %get3A_5 = arith.constant 0 : index
    %get3A_6 = arith.constant 0 : index
    %get3A_7 = vector.load %arg2[%get3A_5, %get3A_6] : memref<4000x128xf32, #tpu.memory_space<vmem>>, vector<4000x128xf32>
    %convert_element_type3A_8 = arith.truncf %get3A_7 : vector<4000x128xf32> to vector<4000x128xbf16>
    %convert_element_type3A_9 = arith.truncf %get3A_1 : vector<4000x16xf32> to vector<4000x16xbf16>
    %concatenate3A = tpu.concatenate %convert_element_type3A, %convert_element_type3A_8, %convert_element_type3A_9 in 1 : vector<4000x128xbf16>, vector<4000x128xbf16>, vector<4000x16xbf16> -> vector<4000x272xbf16>
    %get3A_10 = arith.constant 0 : index
    %get3A_11 = arith.constant 0 : index
    %get3A_12 = vector.load %arg4[%get3A_10, %get3A_11] : memref<272x512xbf16, #tpu.memory_space<vmem>>, vector<272x512xbf16>
    %dot_general3A = arith.constant dense<0.000000e+00> : vector<4000x512xf32>
    %dot_general3A_13 = tpu.matmul %concatenate3A, %get3A_12, %dot_general3A {dimension_numbers = #tpu.dot_dimension_numbers<[1], [0], [0], [1], [0, 0, 1, 1], [], []>, transpose_lhs_hint = false} : vector<4000x272xbf16>, vector<272x512xbf16>, vector<4000x512xf32> -> vector<4000x512xf32>
    %get3A_14 = arith.constant 0 : index
    %get3A_15 = arith.constant 0 : index
    %get3A_16 = vector.load %arg5[%get3A_14, %get3A_15] : memref<1x512xbf16, #tpu.memory_space<vmem>>, vector<1x512xbf16>
    %convert_element_type3A_17 = arith.extf %get3A_16 : vector<1x512xbf16> to vector<1x512xf32>
    %add3A = vector.broadcast %convert_element_type3A_17 : vector<1x512xf32> to vector<4000x512xf32>
    %add3A_18 = arith.addf %dot_general3A_13, %add3A : vector<4000x512xf32>
    %max3A = arith.constant 0.000000e+00 : f32
    %max3A_19 = vector.broadcast %max3A : f32 to vector<4000x512xf32>
    %max3A_20 = arith.maximumf %add3A_18, %max3A_19 : vector<4000x512xf32>
    %get3A_21 = arith.constant 0 : index
    %get3A_22 = arith.constant 0 : index
    %get3A_23 = vector.load %arg6[%get3A_21, %get3A_22] : memref<512x512xbf16, #tpu.memory_space<vmem>>, vector<512x512xbf16>
    %dot_general3A_24 = arith.constant dense<0.000000e+00> : vector<4000x512xf32>
    %dot_general3A_25 = tpu.matmul %max3A_20, %get3A_23, %dot_general3A_24 {dimension_numbers = #tpu.dot_dimension_numbers<[1], [0], [0], [1], [0, 0, 1, 1], [], []>, transpose_lhs_hint = false} : vector<4000x512xf32>, vector<512x512xbf16>, vector<4000x512xf32> -> vector<4000x512xf32>
    %get3A_26 = arith.constant 0 : index
    %get3A_27 = arith.constant 0 : index
    %get3A_28 = vector.load %arg7[%get3A_26, %get3A_27] : memref<1x512xbf16, #tpu.memory_space<vmem>>, vector<1x512xbf16>
    %convert_element_type3A_29 = arith.extf %get3A_28 : vector<1x512xbf16> to vector<1x512xf32>
    %add3A_30 = vector.broadcast %convert_element_type3A_29 : vector<1x512xf32> to vector<4000x512xf32>
    %add3A_31 = arith.addf %dot_general3A_25, %add3A_30 : vector<4000x512xf32>
    %max3A_32 = arith.constant 0.000000e+00 : f32
    %max3A_33 = vector.broadcast %max3A_32 : f32 to vector<4000x512xf32>
    %max3A_34 = arith.maximumf %add3A_31, %max3A_33 : vector<4000x512xf32>
    %get3A_35 = arith.constant 0 : index
    %get3A_36 = arith.constant 0 : index
    %get3A_37 = vector.load %arg8[%get3A_35, %get3A_36] : memref<512x16xbf16, #tpu.memory_space<vmem>>, vector<512x16xbf16>
    %dot_general3A_38 = arith.constant dense<0.000000e+00> : vector<4000x16xf32>
    %dot_general3A_39 = tpu.matmul %max3A_34, %get3A_37, %dot_general3A_38 {dimension_numbers = #tpu.dot_dimension_numbers<[1], [0], [0], [1], [0, 0, 1, 1], [], []>, transpose_lhs_hint = false} : vector<4000x512xf32>, vector<512x16xbf16>, vector<4000x16xf32> -> vector<4000x16xf32>
    %get3A_40 = arith.constant 0 : index
    %get3A_41 = arith.constant 0 : index
    %get3A_42 = vector.load %arg9[%get3A_40, %get3A_41] : memref<1x16xf32, #tpu.memory_space<vmem>>, vector<1x16xf32>
    %add3A_43 = vector.broadcast %get3A_42 : vector<1x16xf32> to vector<4000x16xf32>
    %add3A_44 = arith.addf %dot_general3A_39, %add3A_43 : vector<4000x16xf32>
    %reduce_sum3A = arith.constant dense<0.000000e+00> : vector<4000xf32>
    %reduce_sum3A_45 = vector.multi_reduction <add>, %add3A_44, %reduce_sum3A [1] : vector<4000x16xf32> to vector<4000xf32>
    %broadcast_in_dim3A = vector.shape_cast %reduce_sum3A_45 : vector<4000xf32> to vector<4000x1xf32>
    %div3A = arith.constant 1.600000e+01 : f32
    %div3A_46 = vector.broadcast %div3A : f32 to vector<4000x1xf32>
    %div3A_47 = arith.divf %broadcast_in_dim3A, %div3A_46 : vector<4000x1xf32>
    %sub3A = vector.broadcast %div3A_47 : vector<4000x1xf32> to vector<4000x16xf32>
    %sub3A_48 = arith.subf %add3A_44, %sub3A : vector<4000x16xf32>
    %square3A = arith.mulf %sub3A_48, %sub3A_48 : vector<4000x16xf32>
    %reduce_sum3A_49 = arith.constant dense<0.000000e+00> : vector<4000xf32>
    %reduce_sum3A_50 = vector.multi_reduction <add>, %square3A, %reduce_sum3A_49 [1] : vector<4000x16xf32> to vector<4000xf32>
    %broadcast_in_dim3A_51 = vector.shape_cast %reduce_sum3A_50 : vector<4000xf32> to vector<4000x1xf32>
    %div3A_52 = arith.constant 1.600000e+01 : f32
    %div3A_53 = vector.broadcast %div3A_52 : f32 to vector<4000x1xf32>
    %div3A_54 = arith.divf %broadcast_in_dim3A_51, %div3A_53 : vector<4000x1xf32>
    %sub3A_55 = vector.broadcast %div3A_47 : vector<4000x1xf32> to vector<4000x16xf32>
    %sub3A_56 = arith.subf %add3A_44, %sub3A_55 : vector<4000x16xf32>
    %add3A_57 = arith.constant 9.99999974E-6 : f32
    %add3A_58 = vector.broadcast %add3A_57 : f32 to vector<4000x1xf32>
    %add3A_59 = arith.addf %div3A_54, %add3A_58 : vector<4000x1xf32>
    %rsqrt3A = math.rsqrt %add3A_59 : vector<4000x1xf32>
    %mul3A = vector.broadcast %rsqrt3A : vector<4000x1xf32> to vector<4000x16xf32>
    %mul3A_60 = arith.mulf %sub3A_56, %mul3A : vector<4000x16xf32>
    %get3A_61 = arith.constant 0 : index
    %get3A_62 = arith.constant 0 : index
    %get3A_63 = vector.load %arg10[%get3A_61, %get3A_62] : memref<1x16xf32, #tpu.memory_space<vmem>>, vector<1x16xf32>
    %mul3A_64 = vector.broadcast %get3A_63 : vector<1x16xf32> to vector<4000x16xf32>
    %mul3A_65 = arith.mulf %mul3A_60, %mul3A_64 : vector<4000x16xf32>
    %get3A_66 = arith.constant 0 : index
    %get3A_67 = arith.constant 0 : index
    %get3A_68 = vector.load %arg11[%get3A_66, %get3A_67] : memref<1x16xf32, #tpu.memory_space<vmem>>, vector<1x16xf32>
    %add3A_69 = vector.broadcast %get3A_68 : vector<1x16xf32> to vector<4000x16xf32>
    %add3A_70 = arith.addf %mul3A_65, %add3A_69 : vector<4000x16xf32>
    %add3A_71 = arith.addf %get3A_1, %add3A_70 : vector<4000x16xf32>
    %swap3A = arith.constant 0 : index
    %swap3A_72 = arith.constant 0 : index
    %swap3A_73 = vector.load %arg12[%swap3A, %swap3A_72] : memref<4000x16xf32, #tpu.memory_space<vmem>>, vector<4000x16xf32>
    tpu.vector_store %arg12[%swap3A, %swap3A_72], %add3A_71 {strides = array<i32>} : memref<4000x16xf32, #tpu.memory_space<vmem>>, vector<4000x16xf32>,
    return
  }
  func.func @transform_0(%arg0: i32) -> (i32, i32) {
    %c0_i32 = arith.constant 0 : i32
    %c0_i32_0 = arith.constant 0 : i32
    return %arg0, %c0_i32 : i32, i32
  }
  func.func @transform_1(%arg0: i32) -> (i32, i32) {
    %c0_i32 = arith.constant 0 : i32
    %c0_i32_0 = arith.constant 0 : i32
    return %arg0, %c0_i32 : i32, i32
  }
  func.func @transform_2(%arg0: i32) -> (i32, i32) {
    %c0_i32 = arith.constant 0 : i32
    %c0_i32_0 = arith.constant 0 : i32
    return %arg0, %c0_i32 : i32, i32
  }
  func.func @transform_3(%arg0: i32) -> (i32, i32) {
    %c0_i32 = arith.constant 0 : i32
    %c0_i32_0 = arith.constant 0 : i32
    %c0_i32_1 = arith.constant 0 : i32
    return %c0_i32, %c0_i32_0 : i32, i32
  }
  func.func @transform_4(%arg0: i32) -> (i32, i32) {
    %c0_i32 = arith.constant 0 : i32
    %c0_i32_0 = arith.constant 0 : i32
    %c0_i32_1 = arith.constant 0 : i32
    return %c0_i32, %c0_i32_0 : i32, i32
  }
  func.func @transform_5(%arg0: i32) -> (i32, i32) {
    %c0_i32 = arith.constant 0 : i32
    %c0_i32_0 = arith.constant 0 : i32
    %c0_i32_1 = arith.constant 0 : i32
    return %c0_i32, %c0_i32_0 : i32, i32
  }
  func.func @transform_6(%arg0: i32) -> (i32, i32) {
    %c0_i32 = arith.constant 0 : i32
    %c0_i32_0 = arith.constant 0 : i32
    %c0_i32_1 = arith.constant 0 : i32
    return %c0_i32, %c0_i32_0 : i32, i32
  }
  func.func @transform_7(%arg0: i32) -> (i32, i32) {
    %c0_i32 = arith.constant 0 : i32
    %c0_i32_0 = arith.constant 0 : i32
    %c0_i32_1 = arith.constant 0 : i32
    return %c0_i32, %c0_i32_0 : i32, i32
  }
  func.func @transform_8(%arg0: i32) -> (i32, i32) {
    %c0_i32 = arith.constant 0 : i32
    %c0_i32_0 = arith.constant 0 : i32
    %c0_i32_1 = arith.constant 0 : i32
    return %c0_i32, %c0_i32_0 : i32, i32
  }
  func.func @transform_9(%arg0: i32) -> (i32, i32) {
    %c0_i32 = arith.constant 0 : i32
    %c0_i32_0 = arith.constant 0 : i32
    %c0_i32_1 = arith.constant 0 : i32
    return %c0_i32, %c0_i32_0 : i32, i32
  }
  func.func @transform_10(%arg0: i32) -> (i32, i32) {
    %c0_i32 = arith.constant 0 : i32
    %c0_i32_0 = arith.constant 0 : i32
    %c0_i32_1 = arith.constant 0 : i32
    return %c0_i32, %c0_i32_0 : i32, i32
  }
  func.func @transform_11(%arg0: i32) -> (i32, i32) {
    %c0_i32 = arith.constant 0 : i32
    %c0_i32_0 = arith.constant 0 : i32
    return %arg0, %c0_i32 : i32, i32
  }
}

module attributes {stable_mosaic.version = 14 : i64} {
  func.func @agg_combine_tc(%arg0: memref<2x10240x16xf32, #tpu.memory_space<vmem>>, %arg1: memref<10000x16xf32, #tpu.memory_space<vmem>>) attributes {dimension_semantics = [], scalar_prefetch = 0 : i64, scratch_operands = 0 : i64, tpu.core_type = #tpu.core_type<tc>} {
    %get3A = arith.constant 0 : index
    %get3A_0 = arith.constant 0 : index
    %get3A_1 = arith.constant 0 : index
    %get3A_2 = vector.load %arg0[%get3A, %get3A_0, %get3A_1] : memref<2x10240x16xf32, #tpu.memory_space<vmem>>, vector<1x10000x16xf32>
    %get3A_3 = vector.shape_cast %get3A_2 : vector<1x10000x16xf32> to vector<10000x16xf32>
    %get3A_4 = arith.constant 1 : index
    %get3A_5 = arith.constant 0 : index
    %get3A_6 = arith.constant 0 : index
    %get3A_7 = vector.load %arg0[%get3A_4, %get3A_5, %get3A_6] : memref<2x10240x16xf32, #tpu.memory_space<vmem>>, vector<1x10000x16xf32>
    %get3A_8 = vector.shape_cast %get3A_7 : vector<1x10000x16xf32> to vector<10000x16xf32>
    %add3A = arith.addf %get3A_3, %get3A_8 : vector<10000x16xf32>
    %swap3A = arith.constant 0 : index
    %swap3A_9 = arith.constant 0 : index
    %swap3A_10 = vector.load %arg1[%swap3A, %swap3A_9] : memref<10000x16xf32, #tpu.memory_space<vmem>>, vector<10000x16xf32>
    tpu.vector_store %arg1[%swap3A, %swap3A_9], %add3A {strides = array<i32>} : memref<10000x16xf32, #tpu.memory_space<vmem>>, vector<10000x16xf32>,
    return
  }
}

</mosaic_0001>

<sc_bundles>
// kernel: edge_gather_sc.3.cloned.1.call-start
scs
__scs_entry_jumppad:
0x0: {  	(pc) =	sbr.rel $0x88, $3  }
0x1: {  	(tag) =	ssettag $0x0;
	lr =	simm.s32 $0x1  }
0x2: {  	[smem:$0x3F96] =	sst lr;
	_ =	strace $0xD0000000  }
0x3: {  	_ = 	snop  }
0x4: {  	_ = 	snop  }
0x5: {  	_ = 	snop  }
0x6: {  	_ = 	snop  }
0x7: {  	_ = 	snop  }
__scs_overlays_trampoline_lowered:
0x8: {  	[smem:$0x3FA5] =	sst s0  }
0x9: {  	[smem:$0x3FA6] =	sst s1  }
0xa: {  	[smem:$0x3FA7] =	sst s2  }
0xb: {  	[smem:$0x3FA8] =	sst s3  }
0xc: {  	[smem:$0x3FA9] =	sst s4  }
0xd: {  	[smem:$0x3FAA] =	sst s5  }
0xe: {  	[smem:$0x3FAB] =	sst s6  }
0xf: {  	[smem:$0x3FAC] =	sst s7  }
0x10: {  	[smem:$0x3FAD] =	sst s8  }
0x11: {  	[smem:$0x3FAE] =	sst s9;
	s0 =	simm.s32 @!p0 $0x0  }
0x12: {  	s1 =	sld [smem:$0x3F94];
	s0 =	simm.s32 @p0 $0x1  }
0x13: {  	[smem:$0x3FAF] =	sst s0;
	s0 =	simm.s32 @!p1 $0x0  }
0x14: {  	s2 =	sld [smem:$0x3F93];
	s0 =	simm.s32 @p1 $0x1  }
0x15: {  	[smem:$0x3FB0] =	sst s0;
	s0 =	simm.s32 @!p2 $0x0  }
0x16: {  	s3 =	sld [smem:$0x3FDB];
	s0 =	simm.s32 @p2 $0x1  }
0x17: {  	s4 =	simm.s32 $0x1BF5;
	[smem:$0x3FB2] =	sst s0  }
0x18: {  	s0 =	sld [smem:$0x3F95];
	_ =	swait.ge [sflag:s4], $0x0  }
0x19: {  	s7 =	sld [smem:$0x3F96]  }
0x1a: {  	s8 =	sadd.s32 $0xFFFFE003, lr  }
0x1b: {  	s9 =	sadd.s32 $0xFFFFFEF7, lr;
	s5 =	simm.s32 $0xFFFFFFFF;
	p2 =	slt.u32 s8, $0xFFFFF086  }
0x1c: {  	p1 =	slt.u32 s9, $0xF7A;
	s5 =	simm.s32 @!p2 $0x0  }
0x1d: {  	s5 =	simm.s32 @p1 $0x1;
	p0 =	seq.s32 s7, s2  }
0x1e: {  	s7 =	smul.u32 @!p0 $0xF7A, s2;
	p2 =	seq.s32 @!p0 s5, $0x0  }
0x1f: {  	s9 =	smul.u32 $0xF7A, s1;
	s8 =	simm.s32 @!p0 $0x1BF5;
	p2 =	por !p2, p0  }
0x20: {  	[sflag:s8] =	ssyncset.s32 @!p0 $0xFFFFF086;
	s6 =	sadd.s32 @!p0 s3, s7;
	s7 =	simm.s32 @!p0 $0x108  }
0x21: {  	s3 =	sadd.s32 s3, s9;
	s6 =	sadd.s32 @!p0 $0x88, s6;
	s7 =	simm.s32 @p2 $0x1082  }
0x22: {  	[simem:s7], [sflag:s8] =	dma.local @!p0 [hbm:s6], $0xF7A  }
0x23: {  	s9 =	sor.u32 $0xD0000000, s2;
	s6 =	simm.s32 $0x108;
	_ =	swait.ge @!p0 [sflag:s8], $0x0  }
0x24: {  	s3 =	sadd.s32 $0x88, s3;
	s6 =	simm.s32 @!p1 $0x1082;
	[sflag:s4] =	ssyncset.s32 $0xFFFFF086  }
0x25: {  	[simem:s6], [sflag:s4] =	dma.local [hbm:s3], $0xF7A  }
0x26: {  	[smem:$0x3F96] =	sst s1;
	(tag) =	ssettag s2;
	_ =	strace s9  }
0x27: {  	s1 =	sld [smem:$0x3FA6]  }
0x28: {  	s2 =	sld [smem:$0x3FA7]  }
0x29: {  	s4 =	sld [smem:$0x3FA9]  }
0x2a: {  	p0 =	seq.s32 s5, $0x0;
	s5 =	sld [smem:$0x3FAA]  }
0x2b: {  	s6 =	sld [smem:$0x3FAB]  }
0x2c: {  	s7 =	sld [smem:$0x3FAC]  }
0x2d: {  	s3 =	simm.s32 $0x108;
	s8 =	sld [smem:$0x3FAD]  }
0x2e: {  	s3 =	simm.s32 @!p0 $0x1082;
	s9 =	sld [smem:$0x3FAE]  }
0x2f: {  	lr =	sadd.s32 s0, s3;
	s0 =	sld [smem:$0x3FA5]  }
0x30: {  	s3 =	sld [smem:$0x3FA8]  }
0x31: {  	[smem:$0x3FB1] =	sst s10  }
0x32: {  	s10 =	sld [smem:$0x3FAF];
	_ =	sdelay $0x3  }
0x33: {  	p0 =	seq.s32 s10, $0x1;
	s10 =	sld [smem:$0x3FB1];
	_ =	sdelay $0x3  }
0x34: {  	[smem:$0x3FB1] =	sst s10  }
0x35: {  	s10 =	sld [smem:$0x3FB0];
	_ =	sdelay $0x3  }
0x36: {  	p1 =	seq.s32 s10, $0x1;
	s10 =	sld [smem:$0x3FB1];
	_ =	sdelay $0x3  }
0x37: {  	[smem:$0x3FB1] =	sst s10  }
0x38: {  	s10 =	sld [smem:$0x3FB2]  }
0x39: {  	_ = 	snop;
	(pc) =	sbr.ind lr, $3  }
0x3a: {  	_ = 	snop  }
0x3b: {  	_ = 	snop  }
0x3c: {  	p2 =	seq.s32 s10, $0x1;
	s10 =	sld [smem:$0x3FB1]  }
0x3d: {  	_ =	shalt  }
0x3e: {  	_ =	shalt  }
0x3f: {  	_ =	shalt  }
0x40: {  	_ =	shalt  }
0x41: {  	_ =	shalt  }
0x42: {  	_ =	shalt  }
0x43: {  	_ =	shalt  }
0x44: {  	_ =	shalt  }
0x45: {  	_ =	shalt  }
0x46: {  	_ =	shalt  }
0x47: {  	_ =	shalt  }
0x48: {  	_ =	shalt  }
0x49: {  	_ =	shalt  }
0x4a: {  	_ =	shalt  }
0x4b: {  	_ =	shalt  }
0x4c: {  	_ =	shalt  }
0x4d: {  	_ =	shalt  }
0x4e: {  	_ =	shalt  }
0x4f: {  	_ =	shalt  }
0x50: {  	_ =	shalt  }
0x51: {  	_ =	shalt  }
0x52: {  	_ =	shalt  }
0x53: {  	_ =	shalt  }
0x54: {  	_ =	shalt  }
0x55: {  	_ =	shalt  }
0x56: {  	_ =	shalt  }
0x57: {  	_ =	shalt  }
0x58: {  	_ =	shalt  }
0x59: {  	_ =	shalt  }
0x5a: {  	_ =	shalt  }
0x5b: {  	_ =	shalt  }
0x5c: {  	_ =	shalt  }
0x5d: {  	_ =	shalt  }
0x5e: {  	_ =	shalt  }
0x5f: {  	_ =	shalt  }
0x60: {  	_ =	shalt  }
0x61: {  	_ =	shalt  }
0x62: {  	_ =	shalt  }
0x63: {  	_ =	shalt  }
0x64: {  	_ =	shalt  }
0x65: {  	_ =	shalt  }
0x66: {  	_ =	shalt  }
0x67: {  	_ =	shalt  }
0x68: {  	_ =	shalt  }
0x69: {  	_ =	shalt  }
0x6a: {  	_ =	shalt  }
0x6b: {  	_ =	shalt  }
0x6c: {  	_ =	shalt  }
0x6d: {  	_ =	shalt  }
0x6e: {  	_ =	shalt  }
0x6f: {  	_ =	shalt  }
0x70: {  	_ =	shalt  }
0x71: {  	_ =	shalt  }
0x72: {  	_ =	shalt  }
0x73: {  	_ =	shalt  }
0x74: {  	_ =	shalt  }
0x75: {  	_ =	shalt  }
0x76: {  	_ =	shalt  }
0x77: {  	_ =	shalt  }
0x78: {  	_ =	shalt  }
0x79: {  	_ =	shalt  }
0x7a: {  	_ =	shalt  }
0x7b: {  	_ =	shalt  }
0x7c: {  	_ =	shalt  }
0x7d: {  	_ =	shalt  }
0x7e: {  	_ =	shalt  }
0x7f: {  	_ =	shalt  }
0x80: {  	_ =	shalt  }
0x81: {  	_ =	shalt  }
0x82: {  	_ =	shalt  }
0x83: {  	_ =	shalt  }
0x84: {  	_ =	shalt  }
0x85: {  	_ =	shalt  }
0x86: {  	_ =	shalt  }
0x87: {  	_ =	shalt  }
.Lfunc_end0:
.L_simem_size_0:
called_computation_lowered:
.L_overlay_start_0:
0x88: {  	s2 =	sld [smem:$0x3FD9]  }
0x89: {  	s3 =	sld [smem:$0x3FFE];
	_ =	sdelay $0x1  }
0x8a: {  	s1 =	srdreg.scid  }
0x8b: {  	s0 =	sand.u32 $0x1, s1  }
0x8c: {  	s14 =	sshll.u32 s0, $0xA;
	s2 =	sadd.s32 s3, s2  }
0x8d: {  	s2 =	sadd.s32 s2, s14  }
0x8e: {  	[smem:$0x3FBD] =	sst s2  }
0x8f: {  	_ = 	snop  }
0x90: {  	s2 =	sld [smem:$0x3FD0];
	_ =	sdelay $0x2  }
0x91: {  	s4 =	simm.s32 $0xA;
	s5 =	simm.s32 $0x10;
	s15 =	sld [smem:$0x3FC9]  }
0x92: {  	[smem:s5], [sflag:s4] =	dma.local [hbm:s2], $0x1  }
0x93: {  	_ =	swait.eq [sflag:s4], $0x1  }
0x94: {  	[sflag:s4] =	ssyncset.done $0x0  }
0x95: {  	[sflag:s4] =	ssyncadd.s32 $0xFFFFFFFF  }
0x96: {  	s16 =	sld [smem:$0x11];
	(tm) =	ssettm $0x1  }
0x97: {  	s17 =	sld [smem:$0x3FFB];
	_ =	sdelay $0x3  }
0x98: {  	_ =	strace s17  }
0x99: {  	s4 =	sld [smem:$0x3FFC];
	_ =	sdelay $0x3  }
0x9a: {  	_ =	strace s4  }
0x9b: {  	s4 =	sld [smem:$0x3FFD];
	_ =	sdelay $0x3  }
0x9c: {  	_ =	strace s4  }
0x9d: {  	_ =	strace $0x8FFFFFFF  }
0x9e: {  	s18 =	sld [smem:$0x3FDB];
	_ =	sdelay $0x1  }
0x9f: {  	s19 =	simm.s32 $_scs_section_size  }
0xa0: {  	s6 =	simm.s32 $_size__tile_overlayer_lowered;
	s7 =	simm.s32 $_tile_overlayer_lowered  }
0xa1: {  	s22 =	simm.s32 $0x1BFF;
	s21 =	sshll.u32 s7, $0x1;
	s4 =	sadd.s32 s19, s18  }
0xa2: {  	s8 =	simm.s32 $0x0;
	s20 =	sshll.u32 s6, $0x1;
	s6 =	sadd.s32 s21, s4  }
0xa3: {  	[timem:s8], [sflag:s22] =	dma.local [hbm:s6], s20  }
0xa4: {  	_ =	swait.ge [sflag:s22], s20  }
0xa5: {  	s5 =	ssub.s32 $0x0, s20;
	[sflag:s22] =	ssyncset.done $0x0  }
0xa6: {  	[sflag:s22] =	ssyncadd.s32 s5;
	_ =	sdelay $0x1  }
0xa7: {  	s23 =	simm.s32 $0x1B8B  }
0xa8: {  	_ =	swait.ge [sflag:s23], $0x1  }
0xa9: {  	[sflag:s23] =	ssyncset.done $0x0  }
0xaa: {  	s25 =	simm.s32 $0x1B8E;
	s24 =	sld [smem:$0x3FFE];
	[sflag:s23] =	ssyncadd.s32 $0xFFFFFFFF  }
0xab: {  	s26 =	simm.s32 $execute0_lowered;
	[smem:$0x3FD2] =	sst s25  }
0xac: {  	s6 =	sshll.u32 s26, $0x1;
	_ =	strace $0x80000046;
	[dreg:$0x1] =	wrdreg $0xFFFFFFFF  }
0xad: {  	s28 =	simm.s32 $_size_execute0_lowered;
	s4 =	sadd.s32 s4, s6;
	[dreg:$0x0] =	wrdreg $0x0  }
0xae: {  	s6 =	sshll.u32 s28, $0x1;
	[dreg:$0x2] =	wrdreg s4  }
0xaf: {  	[dreg:$0x3] =	wrdreg s6  }
0xb0: {  	[dreg:$0x4] =	wrdreg $0xC0  }
0xb1: {  	_ =	task [dreg:s8], $0x5FFFF  }
0xb2: {  	[dreg:$0x1] =	wrdreg $0xFFFFFFFF  }
0xb3: {  	[dreg:$0x0] =	wrdreg $0x60  }
0xb4: {  	[dreg:$0x2] =	wrdreg s15  }
0xb5: {  	[dreg:$0x3] =	wrdreg s16  }
0xb6: {  	[dreg:$0x4] =	wrdreg s24  }
0xb7: {  	[dreg:$0x5] =	wrdreg $0x9  }
0xb8: {  	_ =	task.clear_ibuf [dreg:s8], $0x6FFFF;
	_ =	strace $0x90000046  }
0xb9: {  	s29 =	simm.s32 $0x9;
	_ =	strace $0x80000048  }
0xba: {  	_ =	swait.ge [sflag:s29], $0x1  }
0xbb: {  	[sflag:s29] =	ssyncadd.s32 $0xFFFFFFFF  }
0xbc: {  	_ =	strace $0x90000048  }
0xbd: {  	_ =	sfence  }
0xbe: {  	s30 =	sld [smem:$0x0];
	_ =	sdelay $0x2  }
0xbf: {  	s31 =	sshll.u32 s1, $0xD;
	s1 =	sshrl.u32 s1, $0x2  }
0xc0: {  	s3 =	sand.u32 $0x4000, s31;
	s1 =	sadd.s32 s1, s30  }
0xc1: {  	s0 =	sor.u32 s3, s0;
	s1 =	sshll.u32 s1, $0x11  }
0xc2: {  	s0 =	sor.u32 s1, s0  }
0xc3: {  	s0 =	sadd.s32 $0x8F2B, s0  }
0xc4: {  	[sflag:s0] =	ssyncadd.remote.s32 $0x1  }
0xc5: {  	_ =	sfence.sel $0xFFFF  }
0xc6: {  	[dreg:$0x0] =	wrdreg $0xFFFFFFFF;
	(pc) =	sbr.abs _section_cstart, $3  }
0xc7: {  	[dreg:$0x1] =	wrdreg $0xFFFFFFFF  }
0xc8: {  	_ =	task.clear_ibuf [dreg:s8], $0x2FFFF;
	_ =	strace $0x9FFFFFFF  }
0xc9: {  	(tm) =	ssettm $0x7FFFFFFF  }
tec
execute0_lowered:
.L_overlay_start_1:
0x0: {  	(tag) =	ssettag $0x1  }
0x1: {  	s1 =	rddreg [dreg:$0x0]  }
0x2: {  	s4 =	rddreg [dreg:$0x1]  }
0x3: {  	s5 =	rddreg [dreg:$0x2]  }
0x4: {  	s2 =	srdreg.scid;
	s0 =	rddreg [dreg:$0x3]  }
0x5: {  	s3 =	simm.s32 $0x0;
	s14 =	simm.s32 $0x8000;
	s15 =	simm.s32 $0xA800  }
0x6: {  	s16 =	simm.s32 $0x1;
	s17 =	simm.s32 $0x2;
	s18 =	simm.s32 $0x3  }
0x7: {  	s19 =	simm.s32 $0x0;
	s6 =	sand.u32 $0x1, s2;
	s2 =	stileid.u32  }
0x8: {  	[smem:$0x7FF] =	sst s3;
	s11 =	sadd.s32 $0x12200, s5;
	s13 =	sadd.s32 $0x4F4200, s5  }
0x9: {  	s7 =	sshll.u32 s6, $0x4;
	_ =	strace $0x80000047;
	s9 =	ssub.s32 $0x2, s6  }
0xa: {  	s28 =	smul.u32 $0x271000, s6;
	s7 =	sor.u32 s2, s7;
	s12 =	sshrl.u32 s9, $0x1  }
0xb: {  	s30 =	smul.u32 $0x27100, s2;
	s8 =	sshll.u32 s7, $0xB;
	s9 =	ssub.s32 s9, s12  }
0xc: {  	s7 =	smul.u32 $0x27100, s7;
	s31 =	sadd.s32 s28, s13;
	s12 =	simm.s32 $0x4000  }
0xd: {  	s10 =	sadd.s32 s8, s5;
	s4 =	sadd.s32 s4, s8;
	s6 =	smax.u32 s9, $0x1  }
0xe: {  	s5 =	sadd.s32 $0x2200, s10;
	s29 =	sadd.s32 $0x26C00, s7;
	s10 =	sadd.s32 s30, s31  }
0xf: {  	s7 =	sadd.s32 s11, s29;
	s11 =	sadd.s32 s28, s11;
	s8 =	sadd.s32 s13, s29  }
0x10: {  	s13 =	simm.s32 $0x50;
	s9 =	sadd.s32 s30, s11;
	s11 =	simm.s32 $0x4  }
.LBB2_1:
0x11: {  	[tilespmem:s3], [sflag:$0x4] =	stream.linear.gather [hbm4b:s4+s3], $0x3E80, $0x38;
	[tilespmem:$0x12000] =	vst v63  }
0x12: {  	_ =	swait.ge [sflag:s11], $0x3E80  }
0x13: {  	[sflag:s11] =	ssyncset.done $0x0  }
0x14: {  	[sflag:s11] =	ssyncadd.s32 $0xFFFFC180  }
0x15: {  	[tilespmem:s12], [sflag:$0x4] =	stream.linear.gather [hbm4b:s5+s3], $0x3E80, $0x38;
	[tilespmem:$0x12000] =	vst v63  }
0x16: {  	_ =	swait.ge [sflag:s11], $0x3E80  }
0x17: {  	[sflag:s11] =	ssyncset.done $0x0  }
0x18: {  	[sflag:s11] =	ssyncadd.s32 $0xFFFFC180  }
0x19: {  	[tilespmem:s14], [sflag:$0x1] =	stream.indirect.gather [hbm4b:s1+s13], $0x80, s3, s13, $0xb8;
	[tilespmem:$0x12000] =	vst v63  }
0x1a: {  	_ = 	snop  }
0x1b: {  	[tilespmem:s15], [sflag:$0x2] =	stream.indirect.gather [hbm4b:s1+s13], $0x80, s12, s13, $0xb8;
	[tilespmem:$0x12000] =	vst v63  }
0x1c: {  	_ =	swait.ge [sflag:s16], $0x2800  }
0x1d: {  	s20 =	sand.u32 $0x1, s3;
	[sflag:s16] =	ssyncset.done $0x0  }
0x1e: {  	p0 =	seq.s32 s20, $0x0;
	[sflag:s16] =	ssyncadd.s32 $0xFFFFD800  }
0x1f: {  	s21 =	simm.s32 $0x80;
	s20 =	simm.s32 @!p0 $0x80;
	_ =	swait.ge [sflag:s17], $0x2800  }
0x20: {  	s22 =	simm.s32 @!p0 $0x8000;
	s20 =	smov.u32 @p0 s21;
	[sflag:s17] =	ssyncset.done $0x0  }
0x21: {  	s22 =	simm.s32 @p0 $0xD000;
	s21 =	simm.s32 @!p0 $0xA800;
	[sflag:s17] =	ssyncadd.s32 $0xFFFFD800  }
0x22: {  	[tilespmem:s22], [sflag:$0x1] =	stream.indirect.gather [hbm4b:s1+s13], $0x80, s20, s13, $0xb8;
	[tilespmem:$0x12000] =	vst v63  }
0x23: {  	s21 =	simm.s32 @p0 $0xF800;
	s22 =	simm.s32 @!p0 $0xD000;
	s20 =	sadd.s32 $0x4000, s20  }
0x24: {  	[tilespmem:s21], [sflag:$0x2] =	stream.indirect.gather [hbm4b:s1+s13], $0x80, s20, s13, $0xb8;
	[tilespmem:$0x12000] =	vst v63  }
0x25: {  	s22 =	simm.s32 @p0 $0x8000;
	s20 =	simm.s32 @!p0 $0xF800  }
0x26: {  	[hbm4b:s9+s3] =	stream.linear.scatter [tilespmem:s22], [sflag:$0x3], $0x2800, $0x38;
	[tilespmem:$0x12000] =	vst v63  }
0x27: {  	s20 =	simm.s32 @p0 $0xA800  }
0x28: {  	[hbm4b:s10+s3] =	stream.linear.scatter [tilespmem:s20], [sflag:$0x3], $0x2800, $0x38;
	[tilespmem:$0x12000] =	vst v63  }
0x29: {  	_ =	swait.ge [sflag:s18], $0x2800  }
0x2a: {  	[sflag:s18] =	ssyncset.done $0x0  }
0x2b: {  	s23 =	simm.s32 $0x0;
	s21 =	sadd.s32 $0x500, s9;
	[sflag:s18] =	ssyncadd.s32 $0xFFFFD800  }
0x2c: {  	s22 =	sadd.s32 $0x500, s10;
	s20 =	simm.s32 $0x100;
	_ =	swait.ge [sflag:s18], $0x2800  }
.LBB2_2:
0x2d: {  	[sflag:s18] =	ssyncset.done $0x0  }
0x2e: {  	s23 =	sadd.s32 $0x1, s23;
	s24 =	smov.u32 s20;
	s20 =	sadd.s32 $0x80, s20  }
0x2f: {  	p0 =	sne.s32 s20, $0x3E80;
	[sflag:s18] =	ssyncadd.s32 $0xFFFFD800  }
0x30: {  	_ =	swait.ge [sflag:s16], $0x2800  }
0x31: {  	[sflag:s16] =	ssyncset.done $0x0  }
0x32: {  	s25 =	sand.u32 $0x1, s23;
	[sflag:s16] =	ssyncadd.s32 $0xFFFFD800  }
0x33: {  	s26 =	sshll.u32 s23, $0x7;
	p1 =	seq.s32 s25, $0x0;
	_ =	swait.ge [sflag:s17], $0x2800  }
0x34: {  	s25 =	sadd.s32 @!p1 $0x80, s26;
	s26 =	simm.s32 @!p1 $0x8000;
	[sflag:s17] =	ssyncset.done $0x0  }
0x35: {  	s25 =	smov.u32 @p1 s24;
	s26 =	simm.s32 @p1 $0xD000;
	[sflag:s17] =	ssyncadd.s32 $0xFFFFD800  }
0x36: {  	[tilespmem:s26], [sflag:$0x1] =	stream.indirect.gather [hbm4b:s1+s13], $0x80, s25, s13, $0xb8;
	[tilespmem:$0x12000] =	vst v63  }
0x37: {  	s24 =	simm.s32 @!p1 $0xD000;
	s26 =	simm.s32 @!p1 $0xA800;
	s25 =	sadd.s32 $0x4000, s25  }
0x38: {  	s28 =	simm.s32 @!p1 $0xF800;
	s24 =	simm.s32 @p1 $0x8000;
	s26 =	simm.s32 @p1 $0xF800  }
0x39: {  	[tilespmem:s26], [sflag:$0x2] =	stream.indirect.gather [hbm4b:s1+s13], $0x80, s25, s13, $0xb8;
	[tilespmem:$0x12000] =	vst v63  }
0x3a: {  	s28 =	simm.s32 @p1 $0xA800  }
0x3b: {  	[hbm4b:s21+s3] =	stream.linear.scatter [tilespmem:s24], [sflag:$0x3], $0x2800, $0x38;
	[tilespmem:$0x12000] =	vst v63  }
0x3c: {  	_ = 	snop  }
0x3d: {  	[hbm4b:s22+s3] =	stream.linear.scatter [tilespmem:s28], [sflag:$0x3], $0x2800, $0x38;
	[tilespmem:$0x12000] =	vst v63  }
.Ltmp0:
0x3e: {  	_ = 	snop;
	(pc) =	sbr.rel @p0 .LBB2_2-.Ltmp0, $4  }
0x3f: {  	_ =	swait.ge [sflag:s18], $0x2800  }
0x40: {  	[sflag:s18] =	ssyncset.done $0x0  }
0x41: {  	[sflag:s18] =	ssyncadd.s32 $0xFFFFD800  }
0x42: {  	s21 =	sadd.s32 $0x500, s21;
	s22 =	sadd.s32 $0x500, s22;
	_ =	swait.ge [sflag:s18], $0x2800  }
0x43: {  	[sflag:s18] =	ssyncset.done $0x0  }
0x44: {  	[sflag:s18] =	ssyncadd.s32 $0xFFFFD800  }
0x45: {  	_ =	swait.ge [sflag:s16], $0x2800  }
0x46: {  	[sflag:s16] =	ssyncset.done $0x0  }
0x47: {  	[sflag:s16] =	ssyncadd.s32 $0xFFFFD800  }
0x48: {  	_ =	swait.ge [sflag:s17], $0x2800  }
0x49: {  	[sflag:s17] =	ssyncset.done $0x0  }
0x4a: {  	[sflag:s17] =	ssyncadd.s32 $0xFFFFD800  }
0x4b: {  	[hbm4b:s7+s3] =	stream.linear.scatter [tilespmem:s14], [sflag:$0x3], $0x2800, $0x38;
	[tilespmem:$0x12000] =	vst v63  }
0x4c: {  	s19 =	sadd.s32 $0x1, s19  }
0x4d: {  	[hbm4b:s8+s3] =	stream.linear.scatter [tilespmem:s15], [sflag:$0x3], $0x2800, $0x38;
	[tilespmem:$0x12000] =	vst v63  }
0x4e: {  	p0 =	sne.s32 s19, s6;
	_ =	swait.ge [sflag:s18], $0x2800  }
.Ltmp1:
0x4f: {  	[sflag:s18] =	ssyncset.done $0x0;
	(pc) =	sbr.rel @p0 .LBB2_1-.Ltmp1, $4  }
0x50: {  	[sflag:s18] =	ssyncadd.s32 $0xFFFFD800  }
0x51: {  	_ =	swait.ge [sflag:s18], $0x2800  }
0x52: {  	[sflag:s18] =	ssyncset.done $0x0  }
0x53: {  	[sflag:s18] =	ssyncadd.s32 $0xFFFFD800  }
0x54: {  	_ =	sfence.sel $0x180000  }
0x55: {  	[bflag:$0x0] =	sbarrier.arrive $0xFFFF  }
0x56: {  	p0 =	sne.s32 s2, $0x0;
	_ =	strace $0x90000047  }
0x57: {  	s0 =	sadd.s32 @!p0 $0x100000, s0;
	[bflag:$0x2] =	sbarrier.arrive $0xFFFF  }
0x58: {  	[sflag:s0] =	ssyncadd.tile.s32 @!p0 $0x1;
	_ =	shalt  }
.Lfunc_end2:
_tile_overlayer_lowered:
.L_overlay_start_2:
0x59: {  	(tag) =	ssettag $0x2  }
0x5a: {  	s0 =	rddreg [dreg:$0x0];
	s2 =	stileid.u32  }
0x5b: {  	s1 =	rddreg [dreg:$0x1];
	p0 =	sne.s32 s2, $0x0  }
0x5c: {  	s3 =	rddreg [dreg:$0x2];
	[bflag:$0x3] =	sbarrier.arrive $0xFFFF;
	s2 =	simm.s32 @!p0 $0x1C04  }
0x5d: {  	[timem:s3], [sflag:s2] =	dma.local @!p0 [hbm:s0], s1  }
0x5e: {  	s0 =	simm.s32 @!p0 $0x4  }
0x5f: {  	_ =	swait.ge @!p0 [sflag:s0], s1  }
0x60: {  	s1 =	ssub.s32 @!p0 $0x0, s1;
	[sflag:s0] =	ssyncset.done @!p0 $0x0  }
0x61: {  	[sflag:s0] =	ssyncadd.s32 @!p0 s1  }
0x62: {  	[bflag:$0x3] =	sbarrier.arrive $0xFFFF  }
0x63: {  	_ =	shalt  }

// kernel: edge_scatter_sc.3.cloned.1.call-start
scs
__scs_entry_jumppad:
0x0: {  	(pc) =	sbr.rel $0x88, $3  }
0x1: {  	(tag) =	ssettag $0x0;
	lr =	simm.s32 $0x1  }
0x2: {  	[smem:$0x3F96] =	sst lr;
	_ =	strace $0xD0000000  }
0x3: {  	_ = 	snop  }
0x4: {  	_ = 	snop  }
0x5: {  	_ = 	snop  }
0x6: {  	_ = 	snop  }
0x7: {  	_ = 	snop  }
__scs_overlays_trampoline_lowered:
0x8: {  	[smem:$0x3FA5] =	sst s0  }
0x9: {  	[smem:$0x3FA6] =	sst s1  }
0xa: {  	[smem:$0x3FA7] =	sst s2  }
0xb: {  	[smem:$0x3FA8] =	sst s3  }
0xc: {  	[smem:$0x3FA9] =	sst s4  }
0xd: {  	[smem:$0x3FAA] =	sst s5  }
0xe: {  	[smem:$0x3FAB] =	sst s6  }
0xf: {  	[smem:$0x3FAC] =	sst s7  }
0x10: {  	[smem:$0x3FAD] =	sst s8  }
0x11: {  	[smem:$0x3FAE] =	sst s9;
	s0 =	simm.s32 @!p0 $0x0  }
0x12: {  	s1 =	sld [smem:$0x3F94];
	s0 =	simm.s32 @p0 $0x1  }
0x13: {  	[smem:$0x3FAF] =	sst s0;
	s0 =	simm.s32 @!p1 $0x0  }
0x14: {  	s2 =	sld [smem:$0x3F93];
	s0 =	simm.s32 @p1 $0x1  }
0x15: {  	[smem:$0x3FB0] =	sst s0;
	s0 =	simm.s32 @!p2 $0x0  }
0x16: {  	s3 =	sld [smem:$0x3FDB];
	s0 =	simm.s32 @p2 $0x1  }
0x17: {  	s4 =	simm.s32 $0x1BF5;
	[smem:$0x3FB2] =	sst s0  }
0x18: {  	s0 =	sld [smem:$0x3F95];
	_ =	swait.ge [sflag:s4], $0x0  }
0x19: {  	s7 =	sld [smem:$0x3F96]  }
0x1a: {  	s8 =	sadd.s32 $0xFFFFE003, lr  }
0x1b: {  	s9 =	sadd.s32 $0xFFFFFEF7, lr;
	s5 =	simm.s32 $0xFFFFFFFF;
	p2 =	slt.u32 s8, $0xFFFFF086  }
0x1c: {  	p1 =	slt.u32 s9, $0xF7A;
	s5 =	simm.s32 @!p2 $0x0  }
0x1d: {  	s5 =	simm.s32 @p1 $0x1;
	p0 =	seq.s32 s7, s2  }
0x1e: {  	s7 =	smul.u32 @!p0 $0xF7A, s2;
	p2 =	seq.s32 @!p0 s5, $0x0  }
0x1f: {  	s9 =	smul.u32 $0xF7A, s1;
	s8 =	simm.s32 @!p0 $0x1BF5;
	p2 =	por !p2, p0  }
0x20: {  	[sflag:s8] =	ssyncset.s32 @!p0 $0xFFFFF086;
	s6 =	sadd.s32 @!p0 s3, s7;
	s7 =	simm.s32 @!p0 $0x108  }
0x21: {  	s3 =	sadd.s32 s3, s9;
	s6 =	sadd.s32 @!p0 $0x88, s6;
	s7 =	simm.s32 @p2 $0x1082  }
0x22: {  	[simem:s7], [sflag:s8] =	dma.local @!p0 [hbm:s6], $0xF7A  }
0x23: {  	s9 =	sor.u32 $0xD0000000, s2;
	s6 =	simm.s32 $0x108;
	_ =	swait.ge @!p0 [sflag:s8], $0x0  }
0x24: {  	s3 =	sadd.s32 $0x88, s3;
	s6 =	simm.s32 @!p1 $0x1082;
	[sflag:s4] =	ssyncset.s32 $0xFFFFF086  }
0x25: {  	[simem:s6], [sflag:s4] =	dma.local [hbm:s3], $0xF7A  }
0x26: {  	[smem:$0x3F96] =	sst s1;
	(tag) =	ssettag s2;
	_ =	strace s9  }
0x27: {  	s1 =	sld [smem:$0x3FA6]  }
0x28: {  	s2 =	sld [smem:$0x3FA7]  }
0x29: {  	s4 =	sld [smem:$0x3FA9]  }
0x2a: {  	p0 =	seq.s32 s5, $0x0;
	s5 =	sld [smem:$0x3FAA]  }
0x2b: {  	s6 =	sld [smem:$0x3FAB]  }
0x2c: {  	s7 =	sld [smem:$0x3FAC]  }
0x2d: {  	s3 =	simm.s32 $0x108;
	s8 =	sld [smem:$0x3FAD]  }
0x2e: {  	s3 =	simm.s32 @!p0 $0x1082;
	s9 =	sld [smem:$0x3FAE]  }
0x2f: {  	lr =	sadd.s32 s0, s3;
	s0 =	sld [smem:$0x3FA5]  }
0x30: {  	s3 =	sld [smem:$0x3FA8]  }
0x31: {  	[smem:$0x3FB1] =	sst s10  }
0x32: {  	s10 =	sld [smem:$0x3FAF];
	_ =	sdelay $0x3  }
0x33: {  	p0 =	seq.s32 s10, $0x1;
	s10 =	sld [smem:$0x3FB1];
	_ =	sdelay $0x3  }
0x34: {  	[smem:$0x3FB1] =	sst s10  }
0x35: {  	s10 =	sld [smem:$0x3FB0];
	_ =	sdelay $0x3  }
0x36: {  	p1 =	seq.s32 s10, $0x1;
	s10 =	sld [smem:$0x3FB1];
	_ =	sdelay $0x3  }
0x37: {  	[smem:$0x3FB1] =	sst s10  }
0x38: {  	s10 =	sld [smem:$0x3FB2]  }
0x39: {  	_ = 	snop;
	(pc) =	sbr.ind lr, $3  }
0x3a: {  	_ = 	snop  }
0x3b: {  	_ = 	snop  }
0x3c: {  	p2 =	seq.s32 s10, $0x1;
	s10 =	sld [smem:$0x3FB1]  }
0x3d: {  	_ =	shalt  }
0x3e: {  	_ =	shalt  }
0x3f: {  	_ =	shalt  }
0x40: {  	_ =	shalt  }
0x41: {  	_ =	shalt  }
0x42: {  	_ =	shalt  }
0x43: {  	_ =	shalt  }
0x44: {  	_ =	shalt  }
0x45: {  	_ =	shalt  }
0x46: {  	_ =	shalt  }
0x47: {  	_ =	shalt  }
0x48: {  	_ =	shalt  }
0x49: {  	_ =	shalt  }
0x4a: {  	_ =	shalt  }
0x4b: {  	_ =	shalt  }
0x4c: {  	_ =	shalt  }
0x4d: {  	_ =	shalt  }
0x4e: {  	_ =	shalt  }
0x4f: {  	_ =	shalt  }
0x50: {  	_ =	shalt  }
0x51: {  	_ =	shalt  }
0x52: {  	_ =	shalt  }
0x53: {  	_ =	shalt  }
0x54: {  	_ =	shalt  }
0x55: {  	_ =	shalt  }
0x56: {  	_ =	shalt  }
0x57: {  	_ =	shalt  }
0x58: {  	_ =	shalt  }
0x59: {  	_ =	shalt  }
0x5a: {  	_ =	shalt  }
0x5b: {  	_ =	shalt  }
0x5c: {  	_ =	shalt  }
0x5d: {  	_ =	shalt  }
0x5e: {  	_ =	shalt  }
0x5f: {  	_ =	shalt  }
0x60: {  	_ =	shalt  }
0x61: {  	_ =	shalt  }
0x62: {  	_ =	shalt  }
0x63: {  	_ =	shalt  }
0x64: {  	_ =	shalt  }
0x65: {  	_ =	shalt  }
0x66: {  	_ =	shalt  }
0x67: {  	_ =	shalt  }
0x68: {  	_ =	shalt  }
0x69: {  	_ =	shalt  }
0x6a: {  	_ =	shalt  }
0x6b: {  	_ =	shalt  }
0x6c: {  	_ =	shalt  }
0x6d: {  	_ =	shalt  }
0x6e: {  	_ =	shalt  }
0x6f: {  	_ =	shalt  }
0x70: {  	_ =	shalt  }
0x71: {  	_ =	shalt  }
0x72: {  	_ =	shalt  }
0x73: {  	_ =	shalt  }
0x74: {  	_ =	shalt  }
0x75: {  	_ =	shalt  }
0x76: {  	_ =	shalt  }
0x77: {  	_ =	shalt  }
0x78: {  	_ =	shalt  }
0x79: {  	_ =	shalt  }
0x7a: {  	_ =	shalt  }
0x7b: {  	_ =	shalt  }
0x7c: {  	_ =	shalt  }
0x7d: {  	_ =	shalt  }
0x7e: {  	_ =	shalt  }
0x7f: {  	_ =	shalt  }
0x80: {  	_ =	shalt  }
0x81: {  	_ =	shalt  }
0x82: {  	_ =	shalt  }
0x83: {  	_ =	shalt  }
0x84: {  	_ =	shalt  }
0x85: {  	_ =	shalt  }
0x86: {  	_ =	shalt  }
0x87: {  	_ =	shalt  }
.Lfunc_end0:
.L_simem_size_0:
called_computation.1_lowered:
.L_overlay_start_0:
0x88: {  	s2 =	sld [smem:$0x3FD9]  }
0x89: {  	s3 =	sld [smem:$0x3FFE];
	_ =	sdelay $0x1  }
0x8a: {  	s1 =	srdreg.scid  }
0x8b: {  	s0 =	sand.u32 $0x1, s1  }
0x8c: {  	s16 =	sshll.u32 s0, $0xA;
	s2 =	sadd.s32 s3, s2  }
0x8d: {  	s2 =	sadd.s32 s2, s16  }
0x8e: {  	[smem:$0x3FBD] =	sst s2  }
0x8f: {  	_ = 	snop  }
0x90: {  	(tm) =	ssettm $0x1  }
0x91: {  	s17 =	sld [smem:$0x3FFB];
	_ =	sdelay $0x3  }
0x92: {  	_ =	strace s17  }
0x93: {  	s2 =	sld [smem:$0x3FFC];
	_ =	sdelay $0x3  }
0x94: {  	_ =	strace s2  }
0x95: {  	s2 =	sld [smem:$0x3FFD];
	_ =	sdelay $0x3  }
0x96: {  	_ =	strace s2  }
0x97: {  	_ =	strace $0x8FFFFFFF  }
0x98: {  	s18 =	sld [smem:$0x3FDB];
	_ =	sdelay $0x1  }
0x99: {  	s19 =	simm.s32 $_scs_section_size  }
0x9a: {  	s4 =	simm.s32 $_size__tile_overlayer_lowered;
	s5 =	simm.s32 $_tile_overlayer_lowered  }
0x9b: {  	s22 =	simm.s32 $0x1BFF;
	s21 =	sshll.u32 s5, $0x1;
	s2 =	sadd.s32 s19, s18  }
0x9c: {  	s6 =	simm.s32 $0x0;
	s20 =	sshll.u32 s4, $0x1;
	s4 =	sadd.s32 s21, s2  }
0x9d: {  	[timem:s6], [sflag:s22] =	dma.local [hbm:s4], s20  }
0x9e: {  	_ =	swait.ge [sflag:s22], s20  }
0x9f: {  	s3 =	ssub.s32 $0x0, s20;
	[sflag:s22] =	ssyncset.done $0x0  }
0xa0: {  	[sflag:s22] =	ssyncadd.s32 s3;
	_ =	sdelay $0x1  }
0xa1: {  	s23 =	simm.s32 $0x1B8B  }
0xa2: {  	_ =	swait.ge [sflag:s23], $0x1  }
0xa3: {  	[sflag:s23] =	ssyncset.done $0x0  }
0xa4: {  	s25 =	simm.s32 $0x1B8E;
	s24 =	sld [smem:$0x3FFE];
	[sflag:s23] =	ssyncadd.s32 $0xFFFFFFFF  }
0xa5: {  	s26 =	simm.s32 $execute0_lowered;
	[smem:$0x3FD2] =	sst s25  }
0xa6: {  	s4 =	sshll.u32 s26, $0x1;
	_ =	strace $0x80000049;
	[dreg:$0x1] =	wrdreg $0xFFFFFFFF  }
0xa7: {  	s28 =	simm.s32 $_size_execute0_lowered;
	s2 =	sadd.s32 s2, s4;
	[dreg:$0x0] =	wrdreg $0x0  }
0xa8: {  	s4 =	sshll.u32 s28, $0x1;
	[dreg:$0x2] =	wrdreg s2  }
0xa9: {  	[dreg:$0x3] =	wrdreg s4  }
0xaa: {  	[dreg:$0x4] =	wrdreg $0xC0  }
0xab: {  	_ =	task [dreg:s6], $0x5FFFF  }
0xac: {  	[dreg:$0x1] =	wrdreg $0xFFFFFFFF  }
0xad: {  	[dreg:$0x0] =	wrdreg $0x60  }
0xae: {  	[dreg:$0x2] =	wrdreg s24  }
0xaf: {  	[dreg:$0x3] =	wrdreg $0x3F000  }
0xb0: {  	[dreg:$0x4] =	wrdreg $0x9  }
0xb1: {  	_ =	task.clear_ibuf [dreg:s6], $0x5FFFF;
	_ =	strace $0x90000049  }
0xb2: {  	s29 =	simm.s32 $0x9;
	_ =	strace $0x8000004B  }
0xb3: {  	_ =	swait.ge [sflag:s29], $0x1  }
0xb4: {  	[sflag:s29] =	ssyncadd.s32 $0xFFFFFFFF  }
0xb5: {  	_ =	strace $0x9000004B  }
0xb6: {  	_ =	sfence  }
0xb7: {  	s30 =	sld [smem:$0x0];
	_ =	sdelay $0x2  }
0xb8: {  	s31 =	sshll.u32 s1, $0xD;
	s1 =	sshrl.u32 s1, $0x2  }
0xb9: {  	s3 =	sand.u32 $0x4000, s31;
	s1 =	sadd.s32 s1, s30  }
0xba: {  	s0 =	sor.u32 s3, s0;
	s1 =	sshll.u32 s1, $0x11  }
0xbb: {  	s0 =	sor.u32 s1, s0  }
0xbc: {  	s0 =	sadd.s32 $0x8F2B, s0  }
0xbd: {  	[sflag:s0] =	ssyncadd.remote.s32 $0x1  }
0xbe: {  	_ =	sfence.sel $0xFFFF  }
0xbf: {  	[dreg:$0x0] =	wrdreg $0xFFFFFFFF;
	(pc) =	sbr.abs _section_cstart, $3  }
0xc0: {  	[dreg:$0x1] =	wrdreg $0xFFFFFFFF  }
0xc1: {  	_ =	task.clear_ibuf [dreg:s6], $0x2FFFF;
	_ =	strace $0x9FFFFFFF  }
0xc2: {  	(tm) =	ssettm $0x7FFFFFFF  }
0xc3: {  	_ =	shalt  }
tec
execute0_lowered:
.L_overlay_start_1:
0x0: {  	(tag) =	ssettag $0x1  }
0x1: {  	s4 =	rddreg [dreg:$0x0]  }
0x2: {  	s0 =	srdreg.scid;
	s2 =	rddreg [dreg:$0x1]  }
0x3: {  	s1 =	rddreg [dreg:$0x2];
	s3 =	simm.s32 $0x0;
	s5 =	sand.u32 $0x1, s0  }
0x4: {  	s12 =	simm.s32 $0x1F80;
	s0 =	stileid.u32;
	s6 =	smul.u32 $0x271000, s5  }
0x5: {  	s13 =	simm.s32 $0x1;
	s14 =	simm.s32 $0x2;
	s7 =	smul.u32 $0x27100, s0  }
0x6: {  	s15 =	simm.s32 $0x1F40;
	s16 =	simm.s32 $0x0;
	s8 =	smul.u32 $0x2800, s0  }
0x7: {  	[smem:$0x7FF] =	sst s3;
	s28 =	smul.u32 $0x28000, s5;
	s5 =	ssub.s32 $0x2, s5  }
0x8: {  	_ =	strace $0x8000004A;
	s31 =	sshll.u32 s0, $0x6;
	s10 =	sshrl.u32 s5, $0x1  }
0x9: {  	s6 =	sadd.s32 s7, s6;
	s29 =	sadd.s32 s8, s28;
	s30 =	sshrl.u32 s8, $0x3  }
0xa: {  	s10 =	ssub.s32 s5, s10;
	s11 =	sadd.s32 s8, s2;
	s6 =	sshrl.u32 s6, $0x3  }
0xb: {  	s7 =	sadd.s32 s30, s4;
	s9 =	sadd.s32 s6, s4;
	s6 =	sshrl.u32 s29, $0x3  }
0xc: {  	s5 =	sor.u32 $0x1C03, s31;
	s6 =	sadd.s32 s6, s4;
	s4 =	sadd.s32 $0x9E600, s7  }
0xd: {  	s7 =	smax.u32 s10, $0x1;
	s8 =	sadd.s32 $0x2200, s9;
	s9 =	sadd.s32 $0x139A200, s9  }
0xe: {  	s10 =	sshrl.u32 s11, $0x3;
	s11 =	simm.s32 $0x3;
	s6 =	sadd.s32 $0xA3600, s6  }
.LBB2_1:
0xf: {  	[spmem:s10], [sflag:s5] =	dma.local [hbm:s4], $0x500  }
0x10: {  	_ =	swait.ge [sflag:s11], $0x500  }
0x11: {  	[sflag:s11] =	ssyncset.done $0x0  }
0x12: {  	[sflag:s11] =	ssyncadd.s32 $0xFFFFFB00  }
0x13: {  	s17 =	sadd.s32 $0x0, s9;
	[bflag:$0x0] =	sbarrier.arrive $0xFFFF  }
0x14: {  	[tilespmem:s3], [sflag:$0x1] =	stream.linear.gather [hbm4b:s17+s3], $0x1F40, $0x38;
	[tilespmem:$0x6700] =	vst v63  }
0x15: {  	s31 =	sadd.s32 $0x0, s8  }
0x16: {  	[tilespmem:s12], [sflag:$0x2] =	stream.linear.gather [hbm4b:s31+s3], $0x1F40, $0x38;
	[tilespmem:$0x6700] =	vst v63  }
0x17: {  	_ =	swait.ge [sflag:s13], $0x1F40  }
0x18: {  	[sflag:s13] =	ssyncset.done $0x0  }
0x19: {  	[sflag:s13] =	ssyncadd.s32 $0xFFFFE0C0  }
0x1a: {  	_ =	swait.ge [sflag:s14], $0x1F40  }
0x1b: {  	[sflag:s14] =	ssyncset.done $0x0  }
0x1c: {  	[sflag:s14] =	ssyncadd.s32 $0xFFFFE0C0  }
0x1d: {  	[spmem:s2] =	stream.indirect.scatter.add.f32 [tilespmem:s12], [sflag:$0x3], $0x1, s3, s15, $0xb8;
	[tilespmem:$0x6700] =	vst v63  }
0x1e: {  	_ =	swait.ge [sflag:s11], $0x1F40  }
0x1f: {  	s18 =	simm.s32 $0x7D0;
	s17 =	simm.s32 $0x3E8;
	[sflag:s11] =	ssyncset.done $0x0  }
.LBB2_2:
0x20: {  	s19 =	sadd.s32 s17, s9  }
0x21: {  	[sflag:s11] =	ssyncadd.s32 $0xFFFFE0C0;
	s20 =	smov.u32 s18;
	s21 =	sadd.s32 $0x3E8, s18  }
0x22: {  	[tilespmem:s3], [sflag:$0x1] =	stream.linear.gather [hbm4b:s19+s3], $0x1F40, $0x38;
	[tilespmem:$0x6700] =	vst v63  }
0x23: {  	p0 =	sne.s32 s18, $0x4A38;
	s18 =	sadd.s32 s17, s8;
	s17 =	smov.u32 s20  }
0x24: {  	[tilespmem:s12], [sflag:$0x2] =	stream.linear.gather [hbm4b:s18+s3], $0x1F40, $0x38;
	[tilespmem:$0x6700] =	vst v63  }
0x25: {  	_ =	swait.ge [sflag:s13], $0x1F40  }
0x26: {  	[sflag:s13] =	ssyncset.done $0x0  }
0x27: {  	[sflag:s13] =	ssyncadd.s32 $0xFFFFE0C0  }
0x28: {  	_ =	swait.ge [sflag:s14], $0x1F40  }
.Ltmp0:
0x29: {  	[sflag:s14] =	ssyncset.done $0x0;
	(pc) =	sbr.rel @p0 .LBB2_2-.Ltmp0, $4  }
0x2a: {  	[sflag:s14] =	ssyncadd.s32 $0xFFFFE0C0  }
0x2b: {  	[spmem:s2] =	stream.indirect.scatter.add.f32 [tilespmem:s12], [sflag:$0x3], $0x1, s3, s15, $0xb8;
	[tilespmem:$0x6700] =	vst v63  }
0x2c: {  	_ =	swait.ge [sflag:s11], $0x1F40  }
0x2d: {  	s18 =	smov.u32 s21;
	[sflag:s11] =	ssyncset.done $0x0  }
0x2e: {  	s18 =	sadd.s32 s17, s9;
	[sflag:s11] =	ssyncadd.s32 $0xFFFFE0C0  }
0x2f: {  	[tilespmem:s3], [sflag:$0x1] =	stream.linear.gather [hbm4b:s18+s3], $0x1F40, $0x38;
	[tilespmem:$0x6700] =	vst v63  }
0x30: {  	s31 =	sadd.s32 s17, s8  }
0x31: {  	[tilespmem:s12], [sflag:$0x2] =	stream.linear.gather [hbm4b:s31+s3], $0x1F40, $0x38;
	[tilespmem:$0x6700] =	vst v63  }
0x32: {  	_ =	swait.ge [sflag:s13], $0x1F40  }
0x33: {  	[sflag:s13] =	ssyncset.done $0x0  }
0x34: {  	[sflag:s13] =	ssyncadd.s32 $0xFFFFE0C0  }
0x35: {  	_ =	swait.ge [sflag:s14], $0x1F40  }
0x36: {  	[sflag:s14] =	ssyncset.done $0x0  }
0x37: {  	[sflag:s14] =	ssyncadd.s32 $0xFFFFE0C0  }
0x38: {  	[spmem:s2] =	stream.indirect.scatter.add.f32 [tilespmem:s12], [sflag:$0x3], $0x1, s3, s15, $0xb8;
	[tilespmem:$0x6700] =	vst v63  }
0x39: {  	_ =	swait.ge [sflag:s11], $0x1F40  }
0x3a: {  	s16 =	sadd.s32 $0x1, s16;
	[sflag:s11] =	ssyncset.done $0x0  }
0x3b: {  	p0 =	sne.s32 s16, s7;
	[sflag:s11] =	ssyncadd.s32 $0xFFFFE0C0  }
.Ltmp1:
0x3c: {  	[bflag:$0x0] =	sbarrier.arrive $0xFFFF;
	(pc) =	sbr.rel @p0 .LBB2_1-.Ltmp1, $4  }
0x3d: {  	[hbm:s6], [sflag:s5] =	dma.local [spmem:s10], $0x500  }
0x3e: {  	_ =	swait.ge [sflag:s11], $0x500  }
0x3f: {  	[sflag:s11] =	ssyncset.done $0x0  }
0x40: {  	[sflag:s11] =	ssyncadd.s32 $0xFFFFFB00  }
0x41: {  	_ =	sfence.sel $0x180000  }
0x42: {  	[bflag:$0x0] =	sbarrier.arrive $0xFFFF  }
0x43: {  	p0 =	sne.s32 s0, $0x0;
	_ =	strace $0x9000004A  }
0x44: {  	s0 =	sadd.s32 @!p0 $0x100000, s1;
	[bflag:$0x2] =	sbarrier.arrive $0xFFFF  }
0x45: {  	[sflag:s0] =	ssyncadd.tile.s32 @!p0 $0x1;
	_ =	shalt  }
.Lfunc_end2:
_tile_overlayer_lowered:
.L_overlay_start_2:
0x46: {  	(tag) =	ssettag $0x2  }
0x47: {  	s0 =	rddreg [dreg:$0x0];
	s2 =	stileid.u32  }
0x48: {  	s1 =	rddreg [dreg:$0x1];
	p0 =	sne.s32 s2, $0x0  }
0x49: {  	s3 =	rddreg [dreg:$0x2];
	[bflag:$0x3] =	sbarrier.arrive $0xFFFF;
	s2 =	simm.s32 @!p0 $0x1C03  }
0x4a: {  	[timem:s3], [sflag:s2] =	dma.local @!p0 [hbm:s0], s1  }
0x4b: {  	s0 =	simm.s32 @!p0 $0x3  }
0x4c: {  	_ =	swait.ge @!p0 [sflag:s0], s1  }
0x4d: {  	s1 =	ssub.s32 @!p0 $0x0, s1;
	[sflag:s0] =	ssyncset.done @!p0 $0x0  }
0x4e: {  	[sflag:s0] =	ssyncadd.s32 @!p0 s1  }
0x4f: {  	[bflag:$0x3] =	sbarrier.arrive $0xFFFF  }
0x50: {  	_ =	shalt  }

</sc_bundles>
